<compile_context>
chip_gen: v7x
topology: tpu7x:2x2x1
jax: 0.10.2.dev20260603
libtpu: 0.0.44.dev20260713+nightly
codegen_flags: <defaults>
</compile_context>

<pallas_src>
import jax
import jax.numpy as jnp
from jax import lax
from jax.experimental import pallas as pl
from jax.experimental.pallas import tpu as pltpu
from jax.experimental.pallas import tpu_sc as plsc

VOCAB_ = 1000000
D_ = 64
B_TOTAL_ = 16384 * 50

NC_ = 2
NS_ = 16
NW_ = NC_ * NS_

SUB_ = 128
CHUNK_ = 256
SPC_ = CHUNK_ // SUB_
B_PER_W_ = B_TOTAL_ // NW_
N_ = B_PER_W_ // CHUNK_
NBUF_ = 4
P_ = 2
GROUPS_ = N_ // NBUF_
IROWS_ = B_PER_W_ // SUB_


def _emb_kernel(table_hbm, idx_hbm, out_hbm, idx_v, rows_v, *sems):
    gsems = sems[:NBUF_]
    wsems = sems[NBUF_:]
    wid = lax.axis_index("s") * NC_ + lax.axis_index("c")
    base = wid * B_PER_W_

    pltpu.sync_copy(idx_hbm.at[pl.ds(wid * IROWS_, IROWS_)], idx_v)

    def out_slice(t):
        r0 = pl.multiple_of(base + t * CHUNK_, CHUNK_)
        return out_hbm.at[pl.ds(r0, CHUNK_)]

    def chunk(b):
        return rows_v.at[pl.ds(b * CHUNK_, CHUNK_)]

    def fire_gathers(t, b):
        for j in range(SPC_):
            pltpu.async_copy(
                table_hbm.at[idx_v.at[t * SPC_ + j]],
                rows_v.at[pl.ds(b * CHUNK_ + j * SUB_, SUB_)],
                gsems[b],
            )

    def wait_gathers(t, b):
        pltpu.make_async_copy(out_slice(t), chunk(b), gsems[b]).wait()

    def fire_write(t, b):
        pltpu.async_copy(chunk(b), out_slice(t), wsems[b])

    def wait_write(t, b):
        pltpu.make_async_copy(chunk(b), out_slice(t), wsems[b]).wait()

    def turn(t, b, bf, fire, drain_w):
        if fire:
            if drain_w:
                wait_write(t + P_ - NBUF_, bf)
            fire_gathers(t + P_, bf)
        wait_gathers(t, b)
        fire_write(t, b)

    fire_gathers(0, 0)
    fire_gathers(1, 1)

    turn(0, 0, 2, True, False)
    turn(1, 1, 3, True, False)
    turn(2, 2, 0, True, True)
    turn(3, 3, 1, True, True)

    def body(gg, _):
        t0 = gg * NBUF_
        for b in range(NBUF_):
            turn(t0 + b, b, (b + P_) % NBUF_, True, True)
        return ()

    lax.fori_loop(1, GROUPS_ - 1, body, (), unroll=False)

    tl = N_ - NBUF_
    turn(tl + 0, 0, 2, True, True)
    turn(tl + 1, 1, 3, True, True)
    turn(tl + 2, 2, 0, False, False)
    turn(tl + 3, 3, 1, False, False)

    for b in range(NBUF_):
        wait_write(N_ - NBUF_ + b, b)


@jax.jit
def kernel(token_ids, hidden):
    idx_2d = token_ids.reshape(B_TOTAL_ // SUB_, SUB_).astype(jnp.int32)

    mesh = plsc.VectorSubcoreMesh(core_axis_name="c", subcore_axis_name="s")
    run = pl.kernel(
        _emb_kernel,
        out_type=jax.ShapeDtypeStruct((B_TOTAL_, D_), jnp.float32),
        mesh=mesh,
        scratch_types=[
            pltpu.VMEM((IROWS_, SUB_), jnp.int32),
            pltpu.VMEM((NBUF_ * CHUNK_, D_), jnp.float32),
        ]
        + [pltpu.SemaphoreType.DMA] * (2 * NBUF_),
        compiler_params=pltpu.CompilerParams(use_tc_tiling_on_sc=False),
    )
    out = run(hidden, idx_2d)
    return out.reshape(token_ids.shape + (D_,))

# --- scband reference (transcript-rebuilt; emitter-appended) ---
"""Pipeline reference for scband-embedding-8409545965576 (READ-ONLY COPY).

The authoritative reference and input builder live on the scoring server;
editing this copy changes nothing except your own understanding.
"""

import jax, jax.numpy as jnp
import numpy as np

VOCAB = 1000000
EMBED_DIM = 64
BATCH = 16384
HIST = 50

def setup_inputs(seed: int = 0) -> dict:
    key = jax.random.key(seed)
    k_idx, k_w = jax.random.split(key)
    token_ids = jax.random.randint(k_idx, (BATCH, HIST), 0, VOCAB, dtype=jnp.int64 if jax.config.jax_enable_x64 else jnp.int32)
    # trunc_normal_(std=1, a=-3, b=3) approximation via clipped normal
    hidden = jnp.clip(jax.random.normal(k_w, (VOCAB, EMBED_DIM), dtype=jnp.float32), -3.0, 3.0)
    return {"token_ids": token_ids, "hidden": hidden}

def reference(token_ids, hidden):
    # Embedding lookup: gather rows of the table
    return jnp.take(hidden, token_ids, axis=0)

if __name__ == "__main__":
    import jax
    _d = setup_inputs()
    print(jax.jit(kernel)(*tuple(_d.values())))

</pallas_src>

<mosaic_0001>
#map = affine_map<(d0, d1) -> (0, 0)>
module attributes {stable_mosaic.version = 14 : i64} {
  func.func @_emb_kernel(%arg0: i32, %arg1: i32, %arg2: memref<1000000x64xf32, #tpu.memory_space<hbm>>, %arg3: memref<6400x128xi32, #tpu.memory_space<hbm>>, %arg4: memref<819200x64xf32, #tpu.memory_space<hbm>>, %arg5: memref<200x128xi32, #tpu.memory_space<vmem>>, %arg6: memref<1024x64xf32, #tpu.memory_space<vmem>>, %arg7: memref<!tpu.dma_semaphore, #tpu.memory_space<semaphore_mem>>, %arg8: memref<!tpu.dma_semaphore, #tpu.memory_space<semaphore_mem>>, %arg9: memref<!tpu.dma_semaphore, #tpu.memory_space<semaphore_mem>>, %arg10: memref<!tpu.dma_semaphore, #tpu.memory_space<semaphore_mem>>, %arg11: memref<!tpu.dma_semaphore, #tpu.memory_space<semaphore_mem>>, %arg12: memref<!tpu.dma_semaphore, #tpu.memory_space<semaphore_mem>>, %arg13: memref<!tpu.dma_semaphore, #tpu.memory_space<semaphore_mem>>, %arg14: memref<!tpu.dma_semaphore, #tpu.memory_space<semaphore_mem>>) attributes {dimension_semantics = [#tpu.dimension_semantics<core_parallel>, #tpu.dimension_semantics<subcore_parallel>], iteration_bounds = array<i64: 2, 16>, scalar_prefetch = 0 : i64, scratch_operands = 10 : i64, tpu.core_type = #tpu.core_type<sc_vector_subcore>, window_params = [{transform_indices = #map}, {transform_indices = #map}, {transform_indices = #map}]} {
    %mul3A = arith.constant 2 : i32
    %mul3A_0 = arith.muli %arg1, %mul3A : i32
    %add3A = arith.addi %mul3A_0, %arg0 : i32
    %mul3A_1 = arith.constant 25600 : i32
    %mul3A_2 = arith.muli %add3A, %mul3A_1 : i32
    %mul3A_3 = arith.constant 200 : i32
    %mul3A_4 = arith.muli %add3A, %mul3A_3 : i32
    "tpu.region"() ({
      %run_scoped3A = tpu.sem_alloc : memref<!tpu.dma_semaphore, #tpu.memory_space<semaphore_mem>>
      %dma_start3A_478 = arith.constant 0 : i32
      %dma_start3A_479 = tpu.memref_slice %arg3[%mul3A_4, %dma_start3A_478] : memref<6400x128xi32, #tpu.memory_space<hbm>> -> memref<200x128xi32, #tpu.memory_space<hbm>>
      %dma_start3A_480 = arith.constant 0 : i32
      %dma_start3A_481 = tpu.memref_slice %arg3[%mul3A_4, %dma_start3A_480] : memref<6400x128xi32, #tpu.memory_space<hbm>> -> memref<200x128xi32, #tpu.memory_space<hbm>>
      tpu.enqueue_dma source(%dma_start3A_481 : memref<200x128xi32, #tpu.memory_space<hbm>>) target(%arg5 : memref<200x128xi32, #tpu.memory_space<vmem>>) target_semaphore(%run_scoped3A : memref<!tpu.dma_semaphore, #tpu.memory_space<semaphore_mem>>)
      %dma_wait3A_482 = arith.constant 0 : i32
      %dma_wait3A_483 = tpu.memref_slice %arg3[%mul3A_4, %dma_wait3A_482] : memref<6400x128xi32, #tpu.memory_space<hbm>> -> memref<200x128xi32, #tpu.memory_space<hbm>>
      %dma_wait3A_484 = arith.constant 0 : i32
      %dma_wait3A_485 = tpu.memref_slice %arg3[%mul3A_4, %dma_wait3A_484] : memref<6400x128xi32, #tpu.memory_space<hbm>> -> memref<200x128xi32, #tpu.memory_space<hbm>>
      tpu.wait_dma2 semaphore(%run_scoped3A : memref<!tpu.dma_semaphore, #tpu.memory_space<semaphore_mem>>) src(%dma_wait3A_485 : memref<200x128xi32, #tpu.memory_space<hbm>>) dst(%arg5 : memref<200x128xi32, #tpu.memory_space<vmem>>)
      tpu.yield
    }) : () -> ()
    %dma_start3A = arith.constant 0 : i32
    %dma_start3A_5 = arith.constant 0 : i32
    %dma_start3A_6 = arith.constant 0 : i32
    %dma_start3A_7 = tpu.memref_slice %arg6[%dma_start3A_5, %dma_start3A_6] : memref<1024x64xf32, #tpu.memory_space<vmem>> -> memref<128x64xf32, #tpu.memory_space<vmem>>
    %dma_start3A_8 = arith.constant 0 : i32
    %dma_start3A_9 = tpu.memref_slice %arg5[%dma_start3A, %dma_start3A_8] : memref<200x128xi32, #tpu.memory_space<vmem>> -> memref<1x128xi32, #tpu.memory_space<vmem>>
    %dma_start3A_10 = tpu.memref_squeeze %dma_start3A_9 : memref<1x128xi32, #tpu.memory_space<vmem>> -> memref<128xi32, #tpu.memory_space<vmem>>
    %dma_start3A_11 = arith.constant 0 : i32
    %dma_start3A_12 = arith.constant 0 : i32
    %dma_start3A_13 = tpu.memref_slice %arg2[%dma_start3A_11, %dma_start3A_12] : memref<1000000x64xf32, #tpu.memory_space<hbm>> -> memref<1000000x64xf32, #tpu.memory_space<hbm>>
    tpu.enqueue_indirect_dma source(%dma_start3A_13 : memref<1000000x64xf32, #tpu.memory_space<hbm>>) target(%dma_start3A_7 : memref<128x64xf32, #tpu.memory_space<vmem>>) offsets(%dma_start3A_10 : memref<128xi32, #tpu.memory_space<vmem>>) semaphore(%arg7 : memref<!tpu.dma_semaphore, #tpu.memory_space<semaphore_mem>>)
    %dma_start3A_14 = arith.constant 1 : i32
    %dma_start3A_15 = arith.constant 128 : i32
    %dma_start3A_16 = arith.constant 0 : i32
    %dma_start3A_17 = tpu.memref_slice %arg6[%dma_start3A_15, %dma_start3A_16] : memref<1024x64xf32, #tpu.memory_space<vmem>> -> memref<128x64xf32, #tpu.memory_space<vmem>>
    %dma_start3A_18 = arith.constant 0 : i32
    %dma_start3A_19 = tpu.memref_slice %arg5[%dma_start3A_14, %dma_start3A_18] : memref<200x128xi32, #tpu.memory_space<vmem>> -> memref<1x128xi32, #tpu.memory_space<vmem>>
    %dma_start3A_20 = tpu.memref_squeeze %dma_start3A_19 : memref<1x128xi32, #tpu.memory_space<vmem>> -> memref<128xi32, #tpu.memory_space<vmem>>
    %dma_start3A_21 = arith.constant 0 : i32
    %dma_start3A_22 = arith.constant 0 : i32
    %dma_start3A_23 = tpu.memref_slice %arg2[%dma_start3A_21, %dma_start3A_22] : memref<1000000x64xf32, #tpu.memory_space<hbm>> -> memref<1000000x64xf32, #tpu.memory_space<hbm>>
    tpu.enqueue_indirect_dma source(%dma_start3A_23 : memref<1000000x64xf32, #tpu.memory_space<hbm>>) target(%dma_start3A_17 : memref<128x64xf32, #tpu.memory_space<vmem>>) offsets(%dma_start3A_20 : memref<128xi32, #tpu.memory_space<vmem>>) semaphore(%arg7 : memref<!tpu.dma_semaphore, #tpu.memory_space<semaphore_mem>>)
    %dma_start3A_24 = arith.constant 2 : i32
    %dma_start3A_25 = arith.constant 256 : i32
    %dma_start3A_26 = arith.constant 0 : i32
    %dma_start3A_27 = tpu.memref_slice %arg6[%dma_start3A_25, %dma_start3A_26] : memref<1024x64xf32, #tpu.memory_space<vmem>> -> memref<128x64xf32, #tpu.memory_space<vmem>>
    %dma_start3A_28 = arith.constant 0 : i32
    %dma_start3A_29 = tpu.memref_slice %arg5[%dma_start3A_24, %dma_start3A_28] : memref<200x128xi32, #tpu.memory_space<vmem>> -> memref<1x128xi32, #tpu.memory_space<vmem>>
    %dma_start3A_30 = tpu.memref_squeeze %dma_start3A_29 : memref<1x128xi32, #tpu.memory_space<vmem>> -> memref<128xi32, #tpu.memory_space<vmem>>
    %dma_start3A_31 = arith.constant 0 : i32
    %dma_start3A_32 = arith.constant 0 : i32
    %dma_start3A_33 = tpu.memref_slice %arg2[%dma_start3A_31, %dma_start3A_32] : memref<1000000x64xf32, #tpu.memory_space<hbm>> -> memref<1000000x64xf32, #tpu.memory_space<hbm>>
    tpu.enqueue_indirect_dma source(%dma_start3A_33 : memref<1000000x64xf32, #tpu.memory_space<hbm>>) target(%dma_start3A_27 : memref<128x64xf32, #tpu.memory_space<vmem>>) offsets(%dma_start3A_30 : memref<128xi32, #tpu.memory_space<vmem>>) semaphore(%arg8 : memref<!tpu.dma_semaphore, #tpu.memory_space<semaphore_mem>>)
    %dma_start3A_34 = arith.constant 3 : i32
    %dma_start3A_35 = arith.constant 384 : i32
    %dma_start3A_36 = arith.constant 0 : i32
    %dma_start3A_37 = tpu.memref_slice %arg6[%dma_start3A_35, %dma_start3A_36] : memref<1024x64xf32, #tpu.memory_space<vmem>> -> memref<128x64xf32, #tpu.memory_space<vmem>>
    %dma_start3A_38 = arith.constant 0 : i32
    %dma_start3A_39 = tpu.memref_slice %arg5[%dma_start3A_34, %dma_start3A_38] : memref<200x128xi32, #tpu.memory_space<vmem>> -> memref<1x128xi32, #tpu.memory_space<vmem>>
    %dma_start3A_40 = tpu.memref_squeeze %dma_start3A_39 : memref<1x128xi32, #tpu.memory_space<vmem>> -> memref<128xi32, #tpu.memory_space<vmem>>
    %dma_start3A_41 = arith.constant 0 : i32
    %dma_start3A_42 = arith.constant 0 : i32
    %dma_start3A_43 = tpu.memref_slice %arg2[%dma_start3A_41, %dma_start3A_42] : memref<1000000x64xf32, #tpu.memory_space<hbm>> -> memref<1000000x64xf32, #tpu.memory_space<hbm>>
    tpu.enqueue_indirect_dma source(%dma_start3A_43 : memref<1000000x64xf32, #tpu.memory_space<hbm>>) target(%dma_start3A_37 : memref<128x64xf32, #tpu.memory_space<vmem>>) offsets(%dma_start3A_40 : memref<128xi32, #tpu.memory_space<vmem>>) semaphore(%arg8 : memref<!tpu.dma_semaphore, #tpu.memory_space<semaphore_mem>>)
    %dma_start3A_44 = arith.constant 4 : i32
    %dma_start3A_45 = arith.constant 512 : i32
    %dma_start3A_46 = arith.constant 0 : i32
    %dma_start3A_47 = tpu.memref_slice %arg6[%dma_start3A_45, %dma_start3A_46] : memref<1024x64xf32, #tpu.memory_space<vmem>> -> memref<128x64xf32, #tpu.memory_space<vmem>>
    %dma_start3A_48 = arith.constant 0 : i32
    %dma_start3A_49 = tpu.memref_slice %arg5[%dma_start3A_44, %dma_start3A_48] : memref<200x128xi32, #tpu.memory_space<vmem>> -> memref<1x128xi32, #tpu.memory_space<vmem>>
    %dma_start3A_50 = tpu.memref_squeeze %dma_start3A_49 : memref<1x128xi32, #tpu.memory_space<vmem>> -> memref<128xi32, #tpu.memory_space<vmem>>
    %dma_start3A_51 = arith.constant 0 : i32
    %dma_start3A_52 = arith.constant 0 : i32
    %dma_start3A_53 = tpu.memref_slice %arg2[%dma_start3A_51, %dma_start3A_52] : memref<1000000x64xf32, #tpu.memory_space<hbm>> -> memref<1000000x64xf32, #tpu.memory_space<hbm>>
    tpu.enqueue_indirect_dma source(%dma_start3A_53 : memref<1000000x64xf32, #tpu.memory_space<hbm>>) target(%dma_start3A_47 : memref<128x64xf32, #tpu.memory_space<vmem>>) offsets(%dma_start3A_50 : memref<128xi32, #tpu.memory_space<vmem>>) semaphore(%arg9 : memref<!tpu.dma_semaphore, #tpu.memory_space<semaphore_mem>>)
    %dma_start3A_54 = arith.constant 5 : i32
    %dma_start3A_55 = arith.constant 640 : i32
    %dma_start3A_56 = arith.constant 0 : i32
    %dma_start3A_57 = tpu.memref_slice %arg6[%dma_start3A_55, %dma_start3A_56] : memref<1024x64xf32, #tpu.memory_space<vmem>> -> memref<128x64xf32, #tpu.memory_space<vmem>>
    %dma_start3A_58 = arith.constant 0 : i32
    %dma_start3A_59 = tpu.memref_slice %arg5[%dma_start3A_54, %dma_start3A_58] : memref<200x128xi32, #tpu.memory_space<vmem>> -> memref<1x128xi32, #tpu.memory_space<vmem>>
    %dma_start3A_60 = tpu.memref_squeeze %dma_start3A_59 : memref<1x128xi32, #tpu.memory_space<vmem>> -> memref<128xi32, #tpu.memory_space<vmem>>
    %dma_start3A_61 = arith.constant 0 : i32
    %dma_start3A_62 = arith.constant 0 : i32
    %dma_start3A_63 = tpu.memref_slice %arg2[%dma_start3A_61, %dma_start3A_62] : memref<1000000x64xf32, #tpu.memory_space<hbm>> -> memref<1000000x64xf32, #tpu.memory_space<hbm>>
    tpu.enqueue_indirect_dma source(%dma_start3A_63 : memref<1000000x64xf32, #tpu.memory_space<hbm>>) target(%dma_start3A_57 : memref<128x64xf32, #tpu.memory_space<vmem>>) offsets(%dma_start3A_60 : memref<128xi32, #tpu.memory_space<vmem>>) semaphore(%arg9 : memref<!tpu.dma_semaphore, #tpu.memory_space<semaphore_mem>>)
    %add3A_64 = arith.constant 0 : i32
    %add3A_65 = arith.addi %mul3A_2, %add3A_64 : i32
    %multiple_of3A = tpu.assume_multiple %add3A_65, 256 : i32
    %dma_wait3A = arith.constant 0 : i32
    %dma_wait3A_66 = arith.constant 0 : i32
    %dma_wait3A_67 = tpu.memref_slice %arg6[%dma_wait3A, %dma_wait3A_66] : memref<1024x64xf32, #tpu.memory_space<vmem>> -> memref<256x64xf32, #tpu.memory_space<vmem>>
    %dma_wait3A_68 = arith.constant 0 : i32
    %dma_wait3A_69 = tpu.memref_slice %arg4[%multiple_of3A, %dma_wait3A_68] : memref<819200x64xf32, #tpu.memory_space<hbm>> -> memref<256x64xf32, #tpu.memory_space<hbm>>
    %dma_wait3A_70 = arith.constant 0 : i32
    %dma_wait3A_71 = arith.constant 0 : i32
    %dma_wait3A_72 = tpu.memref_slice %arg6[%dma_wait3A_70, %dma_wait3A_71] : memref<1024x64xf32, #tpu.memory_space<vmem>> -> memref<256x64xf32, #tpu.memory_space<vmem>>
    %dma_wait3A_73 = arith.constant 0 : i32
    %dma_wait3A_74 = tpu.memref_slice %arg4[%multiple_of3A, %dma_wait3A_73] : memref<819200x64xf32, #tpu.memory_space<hbm>> -> memref<256x64xf32, #tpu.memory_space<hbm>>
    tpu.wait_dma2 semaphore(%arg7 : memref<!tpu.dma_semaphore, #tpu.memory_space<semaphore_mem>>) src(%dma_wait3A_74 : memref<256x64xf32, #tpu.memory_space<hbm>>) dst(%dma_wait3A_72 : memref<256x64xf32, #tpu.memory_space<vmem>>)
    %add3A_75 = arith.constant 0 : i32
    %add3A_76 = arith.addi %mul3A_2, %add3A_75 : i32
    %multiple_of3A_77 = tpu.assume_multiple %add3A_76, 256 : i32
    %dma_start3A_78 = arith.constant 0 : i32
    %dma_start3A_79 = arith.constant 0 : i32
    %dma_start3A_80 = tpu.memref_slice %arg6[%dma_start3A_78, %dma_start3A_79] : memref<1024x64xf32, #tpu.memory_space<vmem>> -> memref<256x64xf32, #tpu.memory_space<vmem>>
    %dma_start3A_81 = arith.constant 0 : i32
    %dma_start3A_82 = tpu.memref_slice %arg4[%multiple_of3A_77, %dma_start3A_81] : memref<819200x64xf32, #tpu.memory_space<hbm>> -> memref<256x64xf32, #tpu.memory_space<hbm>>
    %dma_start3A_83 = arith.constant 0 : i32
    %dma_start3A_84 = tpu.memref_slice %arg4[%multiple_of3A_77, %dma_start3A_83] : memref<819200x64xf32, #tpu.memory_space<hbm>> -> memref<256x64xf32, #tpu.memory_space<hbm>>
    %dma_start3A_85 = arith.constant 0 : i32
    %dma_start3A_86 = arith.constant 0 : i32
    %dma_start3A_87 = tpu.memref_slice %arg6[%dma_start3A_85, %dma_start3A_86] : memref<1024x64xf32, #tpu.memory_space<vmem>> -> memref<256x64xf32, #tpu.memory_space<vmem>>
    tpu.enqueue_dma source(%dma_start3A_87 : memref<256x64xf32, #tpu.memory_space<vmem>>) target(%dma_start3A_84 : memref<256x64xf32, #tpu.memory_space<hbm>>) target_semaphore(%arg11 : memref<!tpu.dma_semaphore, #tpu.memory_space<semaphore_mem>>)
    %dma_start3A_88 = arith.constant 6 : i32
    %dma_start3A_89 = arith.constant 768 : i32
    %dma_start3A_90 = arith.constant 0 : i32
    %dma_start3A_91 = tpu.memref_slice %arg6[%dma_start3A_89, %dma_start3A_90] : memref<1024x64xf32, #tpu.memory_space<vmem>> -> memref<128x64xf32, #tpu.memory_space<vmem>>
    %dma_start3A_92 = arith.constant 0 : i32
    %dma_start3A_93 = tpu.memref_slice %arg5[%dma_start3A_88, %dma_start3A_92] : memref<200x128xi32, #tpu.memory_space<vmem>> -> memref<1x128xi32, #tpu.memory_space<vmem>>
    %dma_start3A_94 = tpu.memref_squeeze %dma_start3A_93 : memref<1x128xi32, #tpu.memory_space<vmem>> -> memref<128xi32, #tpu.memory_space<vmem>>
    %dma_start3A_95 = arith.constant 0 : i32
    %dma_start3A_96 = arith.constant 0 : i32
    %dma_start3A_97 = tpu.memref_slice %arg2[%dma_start3A_95, %dma_start3A_96] : memref<1000000x64xf32, #tpu.memory_space<hbm>> -> memref<1000000x64xf32, #tpu.memory_space<hbm>>
    tpu.enqueue_indirect_dma source(%dma_start3A_97 : memref<1000000x64xf32, #tpu.memory_space<hbm>>) target(%dma_start3A_91 : memref<128x64xf32, #tpu.memory_space<vmem>>) offsets(%dma_start3A_94 : memref<128xi32, #tpu.memory_space<vmem>>) semaphore(%arg10 : memref<!tpu.dma_semaphore, #tpu.memory_space<semaphore_mem>>)
    %dma_start3A_98 = arith.constant 7 : i32
    %dma_start3A_99 = arith.constant 896 : i32
    %dma_start3A_100 = arith.constant 0 : i32
    %dma_start3A_101 = tpu.memref_slice %arg6[%dma_start3A_99, %dma_start3A_100] : memref<1024x64xf32, #tpu.memory_space<vmem>> -> memref<128x64xf32, #tpu.memory_space<vmem>>
    %dma_start3A_102 = arith.constant 0 : i32
    %dma_start3A_103 = tpu.memref_slice %arg5[%dma_start3A_98, %dma_start3A_102] : memref<200x128xi32, #tpu.memory_space<vmem>> -> memref<1x128xi32, #tpu.memory_space<vmem>>
    %dma_start3A_104 = tpu.memref_squeeze %dma_start3A_103 : memref<1x128xi32, #tpu.memory_space<vmem>> -> memref<128xi32, #tpu.memory_space<vmem>>
    %dma_start3A_105 = arith.constant 0 : i32
    %dma_start3A_106 = arith.constant 0 : i32
    %dma_start3A_107 = tpu.memref_slice %arg2[%dma_start3A_105, %dma_start3A_106] : memref<1000000x64xf32, #tpu.memory_space<hbm>> -> memref<1000000x64xf32, #tpu.memory_space<hbm>>
    tpu.enqueue_indirect_dma source(%dma_start3A_107 : memref<1000000x64xf32, #tpu.memory_space<hbm>>) target(%dma_start3A_101 : memref<128x64xf32, #tpu.memory_space<vmem>>) offsets(%dma_start3A_104 : memref<128xi32, #tpu.memory_space<vmem>>) semaphore(%arg10 : memref<!tpu.dma_semaphore, #tpu.memory_space<semaphore_mem>>)
    %add3A_108 = arith.constant 256 : i32
    %add3A_109 = arith.addi %mul3A_2, %add3A_108 : i32
    %multiple_of3A_110 = tpu.assume_multiple %add3A_109, 256 : i32
    %dma_wait3A_111 = arith.constant 256 : i32
    %dma_wait3A_112 = arith.constant 0 : i32
    %dma_wait3A_113 = tpu.memref_slice %arg6[%dma_wait3A_111, %dma_wait3A_112] : memref<1024x64xf32, #tpu.memory_space<vmem>> -> memref<256x64xf32, #tpu.memory_space<vmem>>
    %dma_wait3A_114 = arith.constant 0 : i32
    %dma_wait3A_115 = tpu.memref_slice %arg4[%multiple_of3A_110, %dma_wait3A_114] : memref<819200x64xf32, #tpu.memory_space<hbm>> -> memref<256x64xf32, #tpu.memory_space<hbm>>
    %dma_wait3A_116 = arith.constant 256 : i32
    %dma_wait3A_117 = arith.constant 0 : i32
    %dma_wait3A_118 = tpu.memref_slice %arg6[%dma_wait3A_116, %dma_wait3A_117] : memref<1024x64xf32, #tpu.memory_space<vmem>> -> memref<256x64xf32, #tpu.memory_space<vmem>>
    %dma_wait3A_119 = arith.constant 0 : i32
    %dma_wait3A_120 = tpu.memref_slice %arg4[%multiple_of3A_110, %dma_wait3A_119] : memref<819200x64xf32, #tpu.memory_space<hbm>> -> memref<256x64xf32, #tpu.memory_space<hbm>>
    tpu.wait_dma2 semaphore(%arg8 : memref<!tpu.dma_semaphore, #tpu.memory_space<semaphore_mem>>) src(%dma_wait3A_120 : memref<256x64xf32, #tpu.memory_space<hbm>>) dst(%dma_wait3A_118 : memref<256x64xf32, #tpu.memory_space<vmem>>)
    %add3A_121 = arith.constant 256 : i32
    %add3A_122 = arith.addi %mul3A_2, %add3A_121 : i32
    %multiple_of3A_123 = tpu.assume_multiple %add3A_122, 256 : i32
    %dma_start3A_124 = arith.constant 256 : i32
    %dma_start3A_125 = arith.constant 0 : i32
    %dma_start3A_126 = tpu.memref_slice %arg6[%dma_start3A_124, %dma_start3A_125] : memref<1024x64xf32, #tpu.memory_space<vmem>> -> memref<256x64xf32, #tpu.memory_space<vmem>>
    %dma_start3A_127 = arith.constant 0 : i32
    %dma_start3A_128 = tpu.memref_slice %arg4[%multiple_of3A_123, %dma_start3A_127] : memref<819200x64xf32, #tpu.memory_space<hbm>> -> memref<256x64xf32, #tpu.memory_space<hbm>>
    %dma_start3A_129 = arith.constant 0 : i32
    %dma_start3A_130 = tpu.memref_slice %arg4[%multiple_of3A_123, %dma_start3A_129] : memref<819200x64xf32, #tpu.memory_space<hbm>> -> memref<256x64xf32, #tpu.memory_space<hbm>>
    %dma_start3A_131 = arith.constant 256 : i32
    %dma_start3A_132 = arith.constant 0 : i32
    %dma_start3A_133 = tpu.memref_slice %arg6[%dma_start3A_131, %dma_start3A_132] : memref<1024x64xf32, #tpu.memory_space<vmem>> -> memref<256x64xf32, #tpu.memory_space<vmem>>
    tpu.enqueue_dma source(%dma_start3A_133 : memref<256x64xf32, #tpu.memory_space<vmem>>) target(%dma_start3A_130 : memref<256x64xf32, #tpu.memory_space<hbm>>) target_semaphore(%arg12 : memref<!tpu.dma_semaphore, #tpu.memory_space<semaphore_mem>>)
    %add3A_134 = arith.constant 0 : i32
    %add3A_135 = arith.addi %mul3A_2, %add3A_134 : i32
    %multiple_of3A_136 = tpu.assume_multiple %add3A_135, 256 : i32
    %dma_wait3A_137 = arith.constant 0 : i32
    %dma_wait3A_138 = arith.constant 0 : i32
    %dma_wait3A_139 = tpu.memref_slice %arg6[%dma_wait3A_137, %dma_wait3A_138] : memref<1024x64xf32, #tpu.memory_space<vmem>> -> memref<256x64xf32, #tpu.memory_space<vmem>>
    %dma_wait3A_140 = arith.constant 0 : i32
    %dma_wait3A_141 = tpu.memref_slice %arg4[%multiple_of3A_136, %dma_wait3A_140] : memref<819200x64xf32, #tpu.memory_space<hbm>> -> memref<256x64xf32, #tpu.memory_space<hbm>>
    %dma_wait3A_142 = arith.constant 0 : i32
    %dma_wait3A_143 = tpu.memref_slice %arg4[%multiple_of3A_136, %dma_wait3A_142] : memref<819200x64xf32, #tpu.memory_space<hbm>> -> memref<256x64xf32, #tpu.memory_space<hbm>>
    %dma_wait3A_144 = arith.constant 0 : i32
    %dma_wait3A_145 = arith.constant 0 : i32
    %dma_wait3A_146 = tpu.memref_slice %arg6[%dma_wait3A_144, %dma_wait3A_145] : memref<1024x64xf32, #tpu.memory_space<vmem>> -> memref<256x64xf32, #tpu.memory_space<vmem>>
    tpu.wait_dma2 semaphore(%arg11 : memref<!tpu.dma_semaphore, #tpu.memory_space<semaphore_mem>>) src(%dma_wait3A_146 : memref<256x64xf32, #tpu.memory_space<vmem>>) dst(%dma_wait3A_143 : memref<256x64xf32, #tpu.memory_space<hbm>>)
    %dma_start3A_147 = arith.constant 8 : i32
    %dma_start3A_148 = arith.constant 0 : i32
    %dma_start3A_149 = arith.constant 0 : i32
    %dma_start3A_150 = tpu.memref_slice %arg6[%dma_start3A_148, %dma_start3A_149] : memref<1024x64xf32, #tpu.memory_space<vmem>> -> memref<128x64xf32, #tpu.memory_space<vmem>>
    %dma_start3A_151 = arith.constant 0 : i32
    %dma_start3A_152 = tpu.memref_slice %arg5[%dma_start3A_147, %dma_start3A_151] : memref<200x128xi32, #tpu.memory_space<vmem>> -> memref<1x128xi32, #tpu.memory_space<vmem>>
    %dma_start3A_153 = tpu.memref_squeeze %dma_start3A_152 : memref<1x128xi32, #tpu.memory_space<vmem>> -> memref<128xi32, #tpu.memory_space<vmem>>
    %dma_start3A_154 = arith.constant 0 : i32
    %dma_start3A_155 = arith.constant 0 : i32
    %dma_start3A_156 = tpu.memref_slice %arg2[%dma_start3A_154, %dma_start3A_155] : memref<1000000x64xf32, #tpu.memory_space<hbm>> -> memref<1000000x64xf32, #tpu.memory_space<hbm>>
    tpu.enqueue_indirect_dma source(%dma_start3A_156 : memref<1000000x64xf32, #tpu.memory_space<hbm>>) target(%dma_start3A_150 : memref<128x64xf32, #tpu.memory_space<vmem>>) offsets(%dma_start3A_153 : memref<128xi32, #tpu.memory_space<vmem>>) semaphore(%arg7 : memref<!tpu.dma_semaphore, #tpu.memory_space<semaphore_mem>>)
    %dma_start3A_157 = arith.constant 9 : i32
    %dma_start3A_158 = arith.constant 128 : i32
    %dma_start3A_159 = arith.constant 0 : i32
    %dma_start3A_160 = tpu.memref_slice %arg6[%dma_start3A_158, %dma_start3A_159] : memref<1024x64xf32, #tpu.memory_space<vmem>> -> memref<128x64xf32, #tpu.memory_space<vmem>>
    %dma_start3A_161 = arith.constant 0 : i32
    %dma_start3A_162 = tpu.memref_slice %arg5[%dma_start3A_157, %dma_start3A_161] : memref<200x128xi32, #tpu.memory_space<vmem>> -> memref<1x128xi32, #tpu.memory_space<vmem>>
    %dma_start3A_163 = tpu.memref_squeeze %dma_start3A_162 : memref<1x128xi32, #tpu.memory_space<vmem>> -> memref<128xi32, #tpu.memory_space<vmem>>
    %dma_start3A_164 = arith.constant 0 : i32
    %dma_start3A_165 = arith.constant 0 : i32
    %dma_start3A_166 = tpu.memref_slice %arg2[%dma_start3A_164, %dma_start3A_165] : memref<1000000x64xf32, #tpu.memory_space<hbm>> -> memref<1000000x64xf32, #tpu.memory_space<hbm>>
    tpu.enqueue_indirect_dma source(%dma_start3A_166 : memref<1000000x64xf32, #tpu.memory_space<hbm>>) target(%dma_start3A_160 : memref<128x64xf32, #tpu.memory_space<vmem>>) offsets(%dma_start3A_163 : memref<128xi32, #tpu.memory_space<vmem>>) semaphore(%arg7 : memref<!tpu.dma_semaphore, #tpu.memory_space<semaphore_mem>>)
    %add3A_167 = arith.constant 512 : i32
    %add3A_168 = arith.addi %mul3A_2, %add3A_167 : i32
    %multiple_of3A_169 = tpu.assume_multiple %add3A_168, 256 : i32
    %dma_wait3A_170 = arith.constant 512 : i32
    %dma_wait3A_171 = arith.constant 0 : i32
    %dma_wait3A_172 = tpu.memref_slice %arg6[%dma_wait3A_170, %dma_wait3A_171] : memref<1024x64xf32, #tpu.memory_space<vmem>> -> memref<256x64xf32, #tpu.memory_space<vmem>>
    %dma_wait3A_173 = arith.constant 0 : i32
    %dma_wait3A_174 = tpu.memref_slice %arg4[%multiple_of3A_169, %dma_wait3A_173] : memref<819200x64xf32, #tpu.memory_space<hbm>> -> memref<256x64xf32, #tpu.memory_space<hbm>>
    %dma_wait3A_175 = arith.constant 512 : i32
    %dma_wait3A_176 = arith.constant 0 : i32
    %dma_wait3A_177 = tpu.memref_slice %arg6[%dma_wait3A_175, %dma_wait3A_176] : memref<1024x64xf32, #tpu.memory_space<vmem>> -> memref<256x64xf32, #tpu.memory_space<vmem>>
    %dma_wait3A_178 = arith.constant 0 : i32
    %dma_wait3A_179 = tpu.memref_slice %arg4[%multiple_of3A_169, %dma_wait3A_178] : memref<819200x64xf32, #tpu.memory_space<hbm>> -> memref<256x64xf32, #tpu.memory_space<hbm>>
    tpu.wait_dma2 semaphore(%arg9 : memref<!tpu.dma_semaphore, #tpu.memory_space<semaphore_mem>>) src(%dma_wait3A_179 : memref<256x64xf32, #tpu.memory_space<hbm>>) dst(%dma_wait3A_177 : memref<256x64xf32, #tpu.memory_space<vmem>>)
    %add3A_180 = arith.constant 512 : i32
    %add3A_181 = arith.addi %mul3A_2, %add3A_180 : i32
    %multiple_of3A_182 = tpu.assume_multiple %add3A_181, 256 : i32
    %dma_start3A_183 = arith.constant 512 : i32
    %dma_start3A_184 = arith.constant 0 : i32
    %dma_start3A_185 = tpu.memref_slice %arg6[%dma_start3A_183, %dma_start3A_184] : memref<1024x64xf32, #tpu.memory_space<vmem>> -> memref<256x64xf32, #tpu.memory_space<vmem>>
    %dma_start3A_186 = arith.constant 0 : i32
    %dma_start3A_187 = tpu.memref_slice %arg4[%multiple_of3A_182, %dma_start3A_186] : memref<819200x64xf32, #tpu.memory_space<hbm>> -> memref<256x64xf32, #tpu.memory_space<hbm>>
    %dma_start3A_188 = arith.constant 0 : i32
    %dma_start3A_189 = tpu.memref_slice %arg4[%multiple_of3A_182, %dma_start3A_188] : memref<819200x64xf32, #tpu.memory_space<hbm>> -> memref<256x64xf32, #tpu.memory_space<hbm>>
    %dma_start3A_190 = arith.constant 512 : i32
    %dma_start3A_191 = arith.constant 0 : i32
    %dma_start3A_192 = tpu.memref_slice %arg6[%dma_start3A_190, %dma_start3A_191] : memref<1024x64xf32, #tpu.memory_space<vmem>> -> memref<256x64xf32, #tpu.memory_space<vmem>>
    tpu.enqueue_dma source(%dma_start3A_192 : memref<256x64xf32, #tpu.memory_space<vmem>>) target(%dma_start3A_189 : memref<256x64xf32, #tpu.memory_space<hbm>>) target_semaphore(%arg13 : memref<!tpu.dma_semaphore, #tpu.memory_space<semaphore_mem>>)
    %add3A_193 = arith.constant 256 : i32
    %add3A_194 = arith.addi %mul3A_2, %add3A_193 : i32
    %multiple_of3A_195 = tpu.assume_multiple %add3A_194, 256 : i32
    %dma_wait3A_196 = arith.constant 256 : i32
    %dma_wait3A_197 = arith.constant 0 : i32
    %dma_wait3A_198 = tpu.memref_slice %arg6[%dma_wait3A_196, %dma_wait3A_197] : memref<1024x64xf32, #tpu.memory_space<vmem>> -> memref<256x64xf32, #tpu.memory_space<vmem>>
    %dma_wait3A_199 = arith.constant 0 : i32
    %dma_wait3A_200 = tpu.memref_slice %arg4[%multiple_of3A_195, %dma_wait3A_199] : memref<819200x64xf32, #tpu.memory_space<hbm>> -> memref<256x64xf32, #tpu.memory_space<hbm>>
    %dma_wait3A_201 = arith.constant 0 : i32
    %dma_wait3A_202 = tpu.memref_slice %arg4[%multiple_of3A_195, %dma_wait3A_201] : memref<819200x64xf32, #tpu.memory_space<hbm>> -> memref<256x64xf32, #tpu.memory_space<hbm>>
    %dma_wait3A_203 = arith.constant 256 : i32
    %dma_wait3A_204 = arith.constant 0 : i32
    %dma_wait3A_205 = tpu.memref_slice %arg6[%dma_wait3A_203, %dma_wait3A_204] : memref<1024x64xf32, #tpu.memory_space<vmem>> -> memref<256x64xf32, #tpu.memory_space<vmem>>
    tpu.wait_dma2 semaphore(%arg12 : memref<!tpu.dma_semaphore, #tpu.memory_space<semaphore_mem>>) src(%dma_wait3A_205 : memref<256x64xf32, #tpu.memory_space<vmem>>) dst(%dma_wait3A_202 : memref<256x64xf32, #tpu.memory_space<hbm>>)
    %dma_start3A_206 = arith.constant 10 : i32
    %dma_start3A_207 = arith.constant 256 : i32
    %dma_start3A_208 = arith.constant 0 : i32
    %dma_start3A_209 = tpu.memref_slice %arg6[%dma_start3A_207, %dma_start3A_208] : memref<1024x64xf32, #tpu.memory_space<vmem>> -> memref<128x64xf32, #tpu.memory_space<vmem>>
    %dma_start3A_210 = arith.constant 0 : i32
    %dma_start3A_211 = tpu.memref_slice %arg5[%dma_start3A_206, %dma_start3A_210] : memref<200x128xi32, #tpu.memory_space<vmem>> -> memref<1x128xi32, #tpu.memory_space<vmem>>
    %dma_start3A_212 = tpu.memref_squeeze %dma_start3A_211 : memref<1x128xi32, #tpu.memory_space<vmem>> -> memref<128xi32, #tpu.memory_space<vmem>>
    %dma_start3A_213 = arith.constant 0 : i32
    %dma_start3A_214 = arith.constant 0 : i32
    %dma_start3A_215 = tpu.memref_slice %arg2[%dma_start3A_213, %dma_start3A_214] : memref<1000000x64xf32, #tpu.memory_space<hbm>> -> memref<1000000x64xf32, #tpu.memory_space<hbm>>
    tpu.enqueue_indirect_dma source(%dma_start3A_215 : memref<1000000x64xf32, #tpu.memory_space<hbm>>) target(%dma_start3A_209 : memref<128x64xf32, #tpu.memory_space<vmem>>) offsets(%dma_start3A_212 : memref<128xi32, #tpu.memory_space<vmem>>) semaphore(%arg8 : memref<!tpu.dma_semaphore, #tpu.memory_space<semaphore_mem>>)
    %dma_start3A_216 = arith.constant 11 : i32
    %dma_start3A_217 = arith.constant 384 : i32
    %dma_start3A_218 = arith.constant 0 : i32
    %dma_start3A_219 = tpu.memref_slice %arg6[%dma_start3A_217, %dma_start3A_218] : memref<1024x64xf32, #tpu.memory_space<vmem>> -> memref<128x64xf32, #tpu.memory_space<vmem>>
    %dma_start3A_220 = arith.constant 0 : i32
    %dma_start3A_221 = tpu.memref_slice %arg5[%dma_start3A_216, %dma_start3A_220] : memref<200x128xi32, #tpu.memory_space<vmem>> -> memref<1x128xi32, #tpu.memory_space<vmem>>
    %dma_start3A_222 = tpu.memref_squeeze %dma_start3A_221 : memref<1x128xi32, #tpu.memory_space<vmem>> -> memref<128xi32, #tpu.memory_space<vmem>>
    %dma_start3A_223 = arith.constant 0 : i32
    %dma_start3A_224 = arith.constant 0 : i32
    %dma_start3A_225 = tpu.memref_slice %arg2[%dma_start3A_223, %dma_start3A_224] : memref<1000000x64xf32, #tpu.memory_space<hbm>> -> memref<1000000x64xf32, #tpu.memory_space<hbm>>
    tpu.enqueue_indirect_dma source(%dma_start3A_225 : memref<1000000x64xf32, #tpu.memory_space<hbm>>) target(%dma_start3A_219 : memref<128x64xf32, #tpu.memory_space<vmem>>) offsets(%dma_start3A_222 : memref<128xi32, #tpu.memory_space<vmem>>) semaphore(%arg8 : memref<!tpu.dma_semaphore, #tpu.memory_space<semaphore_mem>>)
    %add3A_226 = arith.constant 768 : i32
    %add3A_227 = arith.addi %mul3A_2, %add3A_226 : i32
    %multiple_of3A_228 = tpu.assume_multiple %add3A_227, 256 : i32
    %dma_wait3A_229 = arith.constant 768 : i32
    %dma_wait3A_230 = arith.constant 0 : i32
    %dma_wait3A_231 = tpu.memref_slice %arg6[%dma_wait3A_229, %dma_wait3A_230] : memref<1024x64xf32, #tpu.memory_space<vmem>> -> memref<256x64xf32, #tpu.memory_space<vmem>>
    %dma_wait3A_232 = arith.constant 0 : i32
    %dma_wait3A_233 = tpu.memref_slice %arg4[%multiple_of3A_228, %dma_wait3A_232] : memref<819200x64xf32, #tpu.memory_space<hbm>> -> memref<256x64xf32, #tpu.memory_space<hbm>>
    %dma_wait3A_234 = arith.constant 768 : i32
    %dma_wait3A_235 = arith.constant 0 : i32
    %dma_wait3A_236 = tpu.memref_slice %arg6[%dma_wait3A_234, %dma_wait3A_235] : memref<1024x64xf32, #tpu.memory_space<vmem>> -> memref<256x64xf32, #tpu.memory_space<vmem>>
    %dma_wait3A_237 = arith.constant 0 : i32
    %dma_wait3A_238 = tpu.memref_slice %arg4[%multiple_of3A_228, %dma_wait3A_237] : memref<819200x64xf32, #tpu.memory_space<hbm>> -> memref<256x64xf32, #tpu.memory_space<hbm>>
    tpu.wait_dma2 semaphore(%arg10 : memref<!tpu.dma_semaphore, #tpu.memory_space<semaphore_mem>>) src(%dma_wait3A_238 : memref<256x64xf32, #tpu.memory_space<hbm>>) dst(%dma_wait3A_236 : memref<256x64xf32, #tpu.memory_space<vmem>>)
    %add3A_239 = arith.constant 768 : i32
    %add3A_240 = arith.addi %mul3A_2, %add3A_239 : i32
    %multiple_of3A_241 = tpu.assume_multiple %add3A_240, 256 : i32
    %dma_start3A_242 = arith.constant 768 : i32
    %dma_start3A_243 = arith.constant 0 : i32
    %dma_start3A_244 = tpu.memref_slice %arg6[%dma_start3A_242, %dma_start3A_243] : memref<1024x64xf32, #tpu.memory_space<vmem>> -> memref<256x64xf32, #tpu.memory_space<vmem>>
    %dma_start3A_245 = arith.constant 0 : i32
    %dma_start3A_246 = tpu.memref_slice %arg4[%multiple_of3A_241, %dma_start3A_245] : memref<819200x64xf32, #tpu.memory_space<hbm>> -> memref<256x64xf32, #tpu.memory_space<hbm>>
    %dma_start3A_247 = arith.constant 0 : i32
    %dma_start3A_248 = tpu.memref_slice %arg4[%multiple_of3A_241, %dma_start3A_247] : memref<819200x64xf32, #tpu.memory_space<hbm>> -> memref<256x64xf32, #tpu.memory_space<hbm>>
    %dma_start3A_249 = arith.constant 768 : i32
    %dma_start3A_250 = arith.constant 0 : i32
    %dma_start3A_251 = tpu.memref_slice %arg6[%dma_start3A_249, %dma_start3A_250] : memref<1024x64xf32, #tpu.memory_space<vmem>> -> memref<256x64xf32, #tpu.memory_space<vmem>>
    tpu.enqueue_dma source(%dma_start3A_251 : memref<256x64xf32, #tpu.memory_space<vmem>>) target(%dma_start3A_248 : memref<256x64xf32, #tpu.memory_space<hbm>>) target_semaphore(%arg14 : memref<!tpu.dma_semaphore, #tpu.memory_space<semaphore_mem>>)
    %scan3A = arith.constant 1 : i32
    %scan3A_252 = arith.constant 23 : i32
    %scan3A_253 = arith.addi %scan3A, %scan3A_252 : i32
    %scan3A_254 = arith.constant 1 : i32
    scf.for %scan3A_478 = %scan3A to %scan3A_253 step %scan3A_254  : i32 {
      %mul3A_479 = arith.constant 4 : i32
      %mul3A_480 = arith.muli %scan3A_478, %mul3A_479 : i32
      %add3A_481 = arith.constant 0 : i32
      %add3A_482 = arith.addi %mul3A_480, %add3A_481 : i32
      %add3A_483 = arith.constant 2 : i32
      %add3A_484 = arith.addi %add3A_482, %add3A_483 : i32
      %sub3A = arith.constant 4 : i32
      %sub3A_485 = arith.subi %add3A_484, %sub3A : i32
      %mul3A_486 = arith.constant 256 : i32
      %mul3A_487 = arith.muli %sub3A_485, %mul3A_486 : i32
      %add3A_488 = arith.addi %mul3A_2, %mul3A_487 : i32
      %multiple_of3A_489 = tpu.assume_multiple %add3A_488, 256 : i32
      %dma_wait3A_490 = arith.constant 512 : i32
      %dma_wait3A_491 = arith.constant 0 : i32
      %dma_wait3A_492 = tpu.memref_slice %arg6[%dma_wait3A_490, %dma_wait3A_491] : memref<1024x64xf32, #tpu.memory_space<vmem>> -> memref<256x64xf32, #tpu.memory_space<vmem>>
      %dma_wait3A_493 = arith.constant 0 : i32
      %dma_wait3A_494 = tpu.memref_slice %arg4[%multiple_of3A_489, %dma_wait3A_493] : memref<819200x64xf32, #tpu.memory_space<hbm>> -> memref<256x64xf32, #tpu.memory_space<hbm>>
      %dma_wait3A_495 = arith.constant 0 : i32
      %dma_wait3A_496 = tpu.memref_slice %arg4[%multiple_of3A_489, %dma_wait3A_495] : memref<819200x64xf32, #tpu.memory_space<hbm>> -> memref<256x64xf32, #tpu.memory_space<hbm>>
      %dma_wait3A_497 = arith.constant 512 : i32
      %dma_wait3A_498 = arith.constant 0 : i32
      %dma_wait3A_499 = tpu.memref_slice %arg6[%dma_wait3A_497, %dma_wait3A_498] : memref<1024x64xf32, #tpu.memory_space<vmem>> -> memref<256x64xf32, #tpu.memory_space<vmem>>
      tpu.wait_dma2 semaphore(%arg13 : memref<!tpu.dma_semaphore, #tpu.memory_space<semaphore_mem>>) src(%dma_wait3A_499 : memref<256x64xf32, #tpu.memory_space<vmem>>) dst(%dma_wait3A_496 : memref<256x64xf32, #tpu.memory_space<hbm>>)
      %add3A_500 = arith.constant 2 : i32
      %add3A_501 = arith.addi %add3A_482, %add3A_500 : i32
      %mul3A_502 = arith.constant 2 : i32
      %mul3A_503 = arith.muli %add3A_501, %mul3A_502 : i32
      %add3A_504 = arith.constant 0 : i32
      %add3A_505 = arith.addi %mul3A_503, %add3A_504 : i32
      %dma_start3A_506 = arith.constant 512 : i32
      %dma_start3A_507 = arith.constant 0 : i32
      %dma_start3A_508 = tpu.memref_slice %arg6[%dma_start3A_506, %dma_start3A_507] : memref<1024x64xf32, #tpu.memory_space<vmem>> -> memref<128x64xf32, #tpu.memory_space<vmem>>
      %dma_start3A_509 = arith.constant 0 : i32
      %dma_start3A_510 = tpu.memref_slice %arg5[%add3A_505, %dma_start3A_509] : memref<200x128xi32, #tpu.memory_space<vmem>> -> memref<1x128xi32, #tpu.memory_space<vmem>>
      %dma_start3A_511 = tpu.memref_squeeze %dma_start3A_510 : memref<1x128xi32, #tpu.memory_space<vmem>> -> memref<128xi32, #tpu.memory_space<vmem>>
      %dma_start3A_512 = arith.constant 0 : i32
      %dma_start3A_513 = arith.constant 0 : i32
      %dma_start3A_514 = tpu.memref_slice %arg2[%dma_start3A_512, %dma_start3A_513] : memref<1000000x64xf32, #tpu.memory_space<hbm>> -> memref<1000000x64xf32, #tpu.memory_space<hbm>>
      tpu.enqueue_indirect_dma source(%dma_start3A_514 : memref<1000000x64xf32, #tpu.memory_space<hbm>>) target(%dma_start3A_508 : memref<128x64xf32, #tpu.memory_space<vmem>>) offsets(%dma_start3A_511 : memref<128xi32, #tpu.memory_space<vmem>>) semaphore(%arg9 : memref<!tpu.dma_semaphore, #tpu.memory_space<semaphore_mem>>)
      %mul3A_515 = arith.constant 2 : i32
      %mul3A_516 = arith.muli %add3A_501, %mul3A_515 : i32
      %add3A_517 = arith.constant 1 : i32
      %add3A_518 = arith.addi %mul3A_516, %add3A_517 : i32
      %dma_start3A_519 = arith.constant 640 : i32
      %dma_start3A_520 = arith.constant 0 : i32
      %dma_start3A_521 = tpu.memref_slice %arg6[%dma_start3A_519, %dma_start3A_520] : memref<1024x64xf32, #tpu.memory_space<vmem>> -> memref<128x64xf32, #tpu.memory_space<vmem>>
      %dma_start3A_522 = arith.constant 0 : i32
      %dma_start3A_523 = tpu.memref_slice %arg5[%add3A_518, %dma_start3A_522] : memref<200x128xi32, #tpu.memory_space<vmem>> -> memref<1x128xi32, #tpu.memory_space<vmem>>
      %dma_start3A_524 = tpu.memref_squeeze %dma_start3A_523 : memref<1x128xi32, #tpu.memory_space<vmem>> -> memref<128xi32, #tpu.memory_space<vmem>>
      %dma_start3A_525 = arith.constant 0 : i32
      %dma_start3A_526 = arith.constant 0 : i32
      %dma_start3A_527 = tpu.memref_slice %arg2[%dma_start3A_525, %dma_start3A_526] : memref<1000000x64xf32, #tpu.memory_space<hbm>> -> memref<1000000x64xf32, #tpu.memory_space<hbm>>
      tpu.enqueue_indirect_dma source(%dma_start3A_527 : memref<1000000x64xf32, #tpu.memory_space<hbm>>) target(%dma_start3A_521 : memref<128x64xf32, #tpu.memory_space<vmem>>) offsets(%dma_start3A_524 : memref<128xi32, #tpu.memory_space<vmem>>) semaphore(%arg9 : memref<!tpu.dma_semaphore, #tpu.memory_space<semaphore_mem>>)
      %mul3A_528 = arith.constant 256 : i32
      %mul3A_529 = arith.muli %add3A_482, %mul3A_528 : i32
      %add3A_530 = arith.addi %mul3A_2, %mul3A_529 : i32
      %multiple_of3A_531 = tpu.assume_multiple %add3A_530, 256 : i32
      %dma_wait3A_532 = arith.constant 0 : i32
      %dma_wait3A_533 = arith.constant 0 : i32
      %dma_wait3A_534 = tpu.memref_slice %arg6[%dma_wait3A_532, %dma_wait3A_533] : memref<1024x64xf32, #tpu.memory_space<vmem>> -> memref<256x64xf32, #tpu.memory_space<vmem>>
      %dma_wait3A_535 = arith.constant 0 : i32
      %dma_wait3A_536 = tpu.memref_slice %arg4[%multiple_of3A_531, %dma_wait3A_535] : memref<819200x64xf32, #tpu.memory_space<hbm>> -> memref<256x64xf32, #tpu.memory_space<hbm>>
      %dma_wait3A_537 = arith.constant 0 : i32
      %dma_wait3A_538 = arith.constant 0 : i32
      %dma_wait3A_539 = tpu.memref_slice %arg6[%dma_wait3A_537, %dma_wait3A_538] : memref<1024x64xf32, #tpu.memory_space<vmem>> -> memref<256x64xf32, #tpu.memory_space<vmem>>
      %dma_wait3A_540 = arith.constant 0 : i32
      %dma_wait3A_541 = tpu.memref_slice %arg4[%multiple_of3A_531, %dma_wait3A_540] : memref<819200x64xf32, #tpu.memory_space<hbm>> -> memref<256x64xf32, #tpu.memory_space<hbm>>
      tpu.wait_dma2 semaphore(%arg7 : memref<!tpu.dma_semaphore, #tpu.memory_space<semaphore_mem>>) src(%dma_wait3A_541 : memref<256x64xf32, #tpu.memory_space<hbm>>) dst(%dma_wait3A_539 : memref<256x64xf32, #tpu.memory_space<vmem>>)
      %mul3A_542 = arith.constant 256 : i32
      %mul3A_543 = arith.muli %add3A_482, %mul3A_542 : i32
      %add3A_544 = arith.addi %mul3A_2, %mul3A_543 : i32
      %multiple_of3A_545 = tpu.assume_multiple %add3A_544, 256 : i32
      %dma_start3A_546 = arith.constant 0 : i32
      %dma_start3A_547 = arith.constant 0 : i32
      %dma_start3A_548 = tpu.memref_slice %arg6[%dma_start3A_546, %dma_start3A_547] : memref<1024x64xf32, #tpu.memory_space<vmem>> -> memref<256x64xf32, #tpu.memory_space<vmem>>
      %dma_start3A_549 = arith.constant 0 : i32
      %dma_start3A_550 = tpu.memref_slice %arg4[%multiple_of3A_545, %dma_start3A_549] : memref<819200x64xf32, #tpu.memory_space<hbm>> -> memref<256x64xf32, #tpu.memory_space<hbm>>
      %dma_start3A_551 = arith.constant 0 : i32
      %dma_start3A_552 = tpu.memref_slice %arg4[%multiple_of3A_545, %dma_start3A_551] : memref<819200x64xf32, #tpu.memory_space<hbm>> -> memref<256x64xf32, #tpu.memory_space<hbm>>
      %dma_start3A_553 = arith.constant 0 : i32
      %dma_start3A_554 = arith.constant 0 : i32
      %dma_start3A_555 = tpu.memref_slice %arg6[%dma_start3A_553, %dma_start3A_554] : memref<1024x64xf32, #tpu.memory_space<vmem>> -> memref<256x64xf32, #tpu.memory_space<vmem>>
      tpu.enqueue_dma source(%dma_start3A_555 : memref<256x64xf32, #tpu.memory_space<vmem>>) target(%dma_start3A_552 : memref<256x64xf32, #tpu.memory_space<hbm>>) target_semaphore(%arg11 : memref<!tpu.dma_semaphore, #tpu.memory_space<semaphore_mem>>)
      %add3A_556 = arith.constant 1 : i32
      %add3A_557 = arith.addi %mul3A_480, %add3A_556 : i32
      %add3A_558 = arith.constant 2 : i32
      %add3A_559 = arith.addi %add3A_557, %add3A_558 : i32
      %sub3A_560 = arith.constant 4 : i32
      %sub3A_561 = arith.subi %add3A_559, %sub3A_560 : i32
      %mul3A_562 = arith.constant 256 : i32
      %mul3A_563 = arith.muli %sub3A_561, %mul3A_562 : i32
      %add3A_564 = arith.addi %mul3A_2, %mul3A_563 : i32
      %multiple_of3A_565 = tpu.assume_multiple %add3A_564, 256 : i32
      %dma_wait3A_566 = arith.constant 768 : i32
      %dma_wait3A_567 = arith.constant 0 : i32
      %dma_wait3A_568 = tpu.memref_slice %arg6[%dma_wait3A_566, %dma_wait3A_567] : memref<1024x64xf32, #tpu.memory_space<vmem>> -> memref<256x64xf32, #tpu.memory_space<vmem>>
      %dma_wait3A_569 = arith.constant 0 : i32
      %dma_wait3A_570 = tpu.memref_slice %arg4[%multiple_of3A_565, %dma_wait3A_569] : memref<819200x64xf32, #tpu.memory_space<hbm>> -> memref<256x64xf32, #tpu.memory_space<hbm>>
      %dma_wait3A_571 = arith.constant 0 : i32
      %dma_wait3A_572 = tpu.memref_slice %arg4[%multiple_of3A_565, %dma_wait3A_571] : memref<819200x64xf32, #tpu.memory_space<hbm>> -> memref<256x64xf32, #tpu.memory_space<hbm>>
      %dma_wait3A_573 = arith.constant 768 : i32
      %dma_wait3A_574 = arith.constant 0 : i32
      %dma_wait3A_575 = tpu.memref_slice %arg6[%dma_wait3A_573, %dma_wait3A_574] : memref<1024x64xf32, #tpu.memory_space<vmem>> -> memref<256x64xf32, #tpu.memory_space<vmem>>
      tpu.wait_dma2 semaphore(%arg14 : memref<!tpu.dma_semaphore, #tpu.memory_space<semaphore_mem>>) src(%dma_wait3A_575 : memref<256x64xf32, #tpu.memory_space<vmem>>) dst(%dma_wait3A_572 : memref<256x64xf32, #tpu.memory_space<hbm>>)
      %add3A_576 = arith.constant 2 : i32
      %add3A_577 = arith.addi %add3A_557, %add3A_576 : i32
      %mul3A_578 = arith.constant 2 : i32
      %mul3A_579 = arith.muli %add3A_577, %mul3A_578 : i32
      %add3A_580 = arith.constant 0 : i32
      %add3A_581 = arith.addi %mul3A_579, %add3A_580 : i32
      %dma_start3A_582 = arith.constant 768 : i32
      %dma_start3A_583 = arith.constant 0 : i32
      %dma_start3A_584 = tpu.memref_slice %arg6[%dma_start3A_582, %dma_start3A_583] : memref<1024x64xf32, #tpu.memory_space<vmem>> -> memref<128x64xf32, #tpu.memory_space<vmem>>
      %dma_start3A_585 = arith.constant 0 : i32
      %dma_start3A_586 = tpu.memref_slice %arg5[%add3A_581, %dma_start3A_585] : memref<200x128xi32, #tpu.memory_space<vmem>> -> memref<1x128xi32, #tpu.memory_space<vmem>>
      %dma_start3A_587 = tpu.memref_squeeze %dma_start3A_586 : memref<1x128xi32, #tpu.memory_space<vmem>> -> memref<128xi32, #tpu.memory_space<vmem>>
      %dma_start3A_588 = arith.constant 0 : i32
      %dma_start3A_589 = arith.constant 0 : i32
      %dma_start3A_590 = tpu.memref_slice %arg2[%dma_start3A_588, %dma_start3A_589] : memref<1000000x64xf32, #tpu.memory_space<hbm>> -> memref<1000000x64xf32, #tpu.memory_space<hbm>>
      tpu.enqueue_indirect_dma source(%dma_start3A_590 : memref<1000000x64xf32, #tpu.memory_space<hbm>>) target(%dma_start3A_584 : memref<128x64xf32, #tpu.memory_space<vmem>>) offsets(%dma_start3A_587 : memref<128xi32, #tpu.memory_space<vmem>>) semaphore(%arg10 : memref<!tpu.dma_semaphore, #tpu.memory_space<semaphore_mem>>)
      %mul3A_591 = arith.constant 2 : i32
      %mul3A_592 = arith.muli %add3A_577, %mul3A_591 : i32
      %add3A_593 = arith.constant 1 : i32
      %add3A_594 = arith.addi %mul3A_592, %add3A_593 : i32
      %dma_start3A_595 = arith.constant 896 : i32
      %dma_start3A_596 = arith.constant 0 : i32
      %dma_start3A_597 = tpu.memref_slice %arg6[%dma_start3A_595, %dma_start3A_596] : memref<1024x64xf32, #tpu.memory_space<vmem>> -> memref<128x64xf32, #tpu.memory_space<vmem>>
      %dma_start3A_598 = arith.constant 0 : i32
      %dma_start3A_599 = tpu.memref_slice %arg5[%add3A_594, %dma_start3A_598] : memref<200x128xi32, #tpu.memory_space<vmem>> -> memref<1x128xi32, #tpu.memory_space<vmem>>
      %dma_start3A_600 = tpu.memref_squeeze %dma_start3A_599 : memref<1x128xi32, #tpu.memory_space<vmem>> -> memref<128xi32, #tpu.memory_space<vmem>>
      %dma_start3A_601 = arith.constant 0 : i32
      %dma_start3A_602 = arith.constant 0 : i32
      %dma_start3A_603 = tpu.memref_slice %arg2[%dma_start3A_601, %dma_start3A_602] : memref<1000000x64xf32, #tpu.memory_space<hbm>> -> memref<1000000x64xf32, #tpu.memory_space<hbm>>
      tpu.enqueue_indirect_dma source(%dma_start3A_603 : memref<1000000x64xf32, #tpu.memory_space<hbm>>) target(%dma_start3A_597 : memref<128x64xf32, #tpu.memory_space<vmem>>) offsets(%dma_start3A_600 : memref<128xi32, #tpu.memory_space<vmem>>) semaphore(%arg10 : memref<!tpu.dma_semaphore, #tpu.memory_space<semaphore_mem>>)
      %mul3A_604 = arith.constant 256 : i32
      %mul3A_605 = arith.muli %add3A_557, %mul3A_604 : i32
      %add3A_606 = arith.addi %mul3A_2, %mul3A_605 : i32
      %multiple_of3A_607 = tpu.assume_multiple %add3A_606, 256 : i32
      %dma_wait3A_608 = arith.constant 256 : i32
      %dma_wait3A_609 = arith.constant 0 : i32
      %dma_wait3A_610 = tpu.memref_slice %arg6[%dma_wait3A_608, %dma_wait3A_609] : memref<1024x64xf32, #tpu.memory_space<vmem>> -> memref<256x64xf32, #tpu.memory_space<vmem>>
      %dma_wait3A_611 = arith.constant 0 : i32
      %dma_wait3A_612 = tpu.memref_slice %arg4[%multiple_of3A_607, %dma_wait3A_611] : memref<819200x64xf32, #tpu.memory_space<hbm>> -> memref<256x64xf32, #tpu.memory_space<hbm>>
      %dma_wait3A_613 = arith.constant 256 : i32
      %dma_wait3A_614 = arith.constant 0 : i32
      %dma_wait3A_615 = tpu.memref_slice %arg6[%dma_wait3A_613, %dma_wait3A_614] : memref<1024x64xf32, #tpu.memory_space<vmem>> -> memref<256x64xf32, #tpu.memory_space<vmem>>
      %dma_wait3A_616 = arith.constant 0 : i32
      %dma_wait3A_617 = tpu.memref_slice %arg4[%multiple_of3A_607, %dma_wait3A_616] : memref<819200x64xf32, #tpu.memory_space<hbm>> -> memref<256x64xf32, #tpu.memory_space<hbm>>
      tpu.wait_dma2 semaphore(%arg8 : memref<!tpu.dma_semaphore, #tpu.memory_space<semaphore_mem>>) src(%dma_wait3A_617 : memref<256x64xf32, #tpu.memory_space<hbm>>) dst(%dma_wait3A_615 : memref<256x64xf32, #tpu.memory_space<vmem>>)
      %mul3A_618 = arith.constant 256 : i32
      %mul3A_619 = arith.muli %add3A_557, %mul3A_618 : i32
      %add3A_620 = arith.addi %mul3A_2, %mul3A_619 : i32
      %multiple_of3A_621 = tpu.assume_multiple %add3A_620, 256 : i32
      %dma_start3A_622 = arith.constant 256 : i32
      %dma_start3A_623 = arith.constant 0 : i32
      %dma_start3A_624 = tpu.memref_slice %arg6[%dma_start3A_622, %dma_start3A_623] : memref<1024x64xf32, #tpu.memory_space<vmem>> -> memref<256x64xf32, #tpu.memory_space<vmem>>
      %dma_start3A_625 = arith.constant 0 : i32
      %dma_start3A_626 = tpu.memref_slice %arg4[%multiple_of3A_621, %dma_start3A_625] : memref<819200x64xf32, #tpu.memory_space<hbm>> -> memref<256x64xf32, #tpu.memory_space<hbm>>
      %dma_start3A_627 = arith.constant 0 : i32
      %dma_start3A_628 = tpu.memref_slice %arg4[%multiple_of3A_621, %dma_start3A_627] : memref<819200x64xf32, #tpu.memory_space<hbm>> -> memref<256x64xf32, #tpu.memory_space<hbm>>
      %dma_start3A_629 = arith.constant 256 : i32
      %dma_start3A_630 = arith.constant 0 : i32
      %dma_start3A_631 = tpu.memref_slice %arg6[%dma_start3A_629, %dma_start3A_630] : memref<1024x64xf32, #tpu.memory_space<vmem>> -> memref<256x64xf32, #tpu.memory_space<vmem>>
      tpu.enqueue_dma source(%dma_start3A_631 : memref<256x64xf32, #tpu.memory_space<vmem>>) target(%dma_start3A_628 : memref<256x64xf32, #tpu.memory_space<hbm>>) target_semaphore(%arg12 : memref<!tpu.dma_semaphore, #tpu.memory_space<semaphore_mem>>)
      %add3A_632 = arith.constant 2 : i32
      %add3A_633 = arith.addi %mul3A_480, %add3A_632 : i32
      %add3A_634 = arith.constant 2 : i32
      %add3A_635 = arith.addi %add3A_633, %add3A_634 : i32
      %sub3A_636 = arith.constant 4 : i32
      %sub3A_637 = arith.subi %add3A_635, %sub3A_636 : i32
      %mul3A_638 = arith.constant 256 : i32
      %mul3A_639 = arith.muli %sub3A_637, %mul3A_638 : i32
      %add3A_640 = arith.addi %mul3A_2, %mul3A_639 : i32
      %multiple_of3A_641 = tpu.assume_multiple %add3A_640, 256 : i32
      %dma_wait3A_642 = arith.constant 0 : i32
      %dma_wait3A_643 = arith.constant 0 : i32
      %dma_wait3A_644 = tpu.memref_slice %arg6[%dma_wait3A_642, %dma_wait3A_643] : memref<1024x64xf32, #tpu.memory_space<vmem>> -> memref<256x64xf32, #tpu.memory_space<vmem>>
      %dma_wait3A_645 = arith.constant 0 : i32
      %dma_wait3A_646 = tpu.memref_slice %arg4[%multiple_of3A_641, %dma_wait3A_645] : memref<819200x64xf32, #tpu.memory_space<hbm>> -> memref<256x64xf32, #tpu.memory_space<hbm>>
      %dma_wait3A_647 = arith.constant 0 : i32
      %dma_wait3A_648 = tpu.memref_slice %arg4[%multiple_of3A_641, %dma_wait3A_647] : memref<819200x64xf32, #tpu.memory_space<hbm>> -> memref<256x64xf32, #tpu.memory_space<hbm>>
      %dma_wait3A_649 = arith.constant 0 : i32
      %dma_wait3A_650 = arith.constant 0 : i32
      %dma_wait3A_651 = tpu.memref_slice %arg6[%dma_wait3A_649, %dma_wait3A_650] : memref<1024x64xf32, #tpu.memory_space<vmem>> -> memref<256x64xf32, #tpu.memory_space<vmem>>
      tpu.wait_dma2 semaphore(%arg11 : memref<!tpu.dma_semaphore, #tpu.memory_space<semaphore_mem>>) src(%dma_wait3A_651 : memref<256x64xf32, #tpu.memory_space<vmem>>) dst(%dma_wait3A_648 : memref<256x64xf32, #tpu.memory_space<hbm>>)
      %add3A_652 = arith.constant 2 : i32
      %add3A_653 = arith.addi %add3A_633, %add3A_652 : i32
      %mul3A_654 = arith.constant 2 : i32
      %mul3A_655 = arith.muli %add3A_653, %mul3A_654 : i32
      %add3A_656 = arith.constant 0 : i32
      %add3A_657 = arith.addi %mul3A_655, %add3A_656 : i32
      %dma_start3A_658 = arith.constant 0 : i32
      %dma_start3A_659 = arith.constant 0 : i32
      %dma_start3A_660 = tpu.memref_slice %arg6[%dma_start3A_658, %dma_start3A_659] : memref<1024x64xf32, #tpu.memory_space<vmem>> -> memref<128x64xf32, #tpu.memory_space<vmem>>
      %dma_start3A_661 = arith.constant 0 : i32
      %dma_start3A_662 = tpu.memref_slice %arg5[%add3A_657, %dma_start3A_661] : memref<200x128xi32, #tpu.memory_space<vmem>> -> memref<1x128xi32, #tpu.memory_space<vmem>>
      %dma_start3A_663 = tpu.memref_squeeze %dma_start3A_662 : memref<1x128xi32, #tpu.memory_space<vmem>> -> memref<128xi32, #tpu.memory_space<vmem>>
      %dma_start3A_664 = arith.constant 0 : i32
      %dma_start3A_665 = arith.constant 0 : i32
      %dma_start3A_666 = tpu.memref_slice %arg2[%dma_start3A_664, %dma_start3A_665] : memref<1000000x64xf32, #tpu.memory_space<hbm>> -> memref<1000000x64xf32, #tpu.memory_space<hbm>>
      tpu.enqueue_indirect_dma source(%dma_start3A_666 : memref<1000000x64xf32, #tpu.memory_space<hbm>>) target(%dma_start3A_660 : memref<128x64xf32, #tpu.memory_space<vmem>>) offsets(%dma_start3A_663 : memref<128xi32, #tpu.memory_space<vmem>>) semaphore(%arg7 : memref<!tpu.dma_semaphore, #tpu.memory_space<semaphore_mem>>)
      %mul3A_667 = arith.constant 2 : i32
      %mul3A_668 = arith.muli %add3A_653, %mul3A_667 : i32
      %add3A_669 = arith.constant 1 : i32
      %add3A_670 = arith.addi %mul3A_668, %add3A_669 : i32
      %dma_start3A_671 = arith.constant 128 : i32
      %dma_start3A_672 = arith.constant 0 : i32
      %dma_start3A_673 = tpu.memref_slice %arg6[%dma_start3A_671, %dma_start3A_672] : memref<1024x64xf32, #tpu.memory_space<vmem>> -> memref<128x64xf32, #tpu.memory_space<vmem>>
      %dma_start3A_674 = arith.constant 0 : i32
      %dma_start3A_675 = tpu.memref_slice %arg5[%add3A_670, %dma_start3A_674] : memref<200x128xi32, #tpu.memory_space<vmem>> -> memref<1x128xi32, #tpu.memory_space<vmem>>
      %dma_start3A_676 = tpu.memref_squeeze %dma_start3A_675 : memref<1x128xi32, #tpu.memory_space<vmem>> -> memref<128xi32, #tpu.memory_space<vmem>>
      %dma_start3A_677 = arith.constant 0 : i32
      %dma_start3A_678 = arith.constant 0 : i32
      %dma_start3A_679 = tpu.memref_slice %arg2[%dma_start3A_677, %dma_start3A_678] : memref<1000000x64xf32, #tpu.memory_space<hbm>> -> memref<1000000x64xf32, #tpu.memory_space<hbm>>
      tpu.enqueue_indirect_dma source(%dma_start3A_679 : memref<1000000x64xf32, #tpu.memory_space<hbm>>) target(%dma_start3A_673 : memref<128x64xf32, #tpu.memory_space<vmem>>) offsets(%dma_start3A_676 : memref<128xi32, #tpu.memory_space<vmem>>) semaphore(%arg7 : memref<!tpu.dma_semaphore, #tpu.memory_space<semaphore_mem>>)
      %mul3A_680 = arith.constant 256 : i32
      %mul3A_681 = arith.muli %add3A_633, %mul3A_680 : i32
      %add3A_682 = arith.addi %mul3A_2, %mul3A_681 : i32
      %multiple_of3A_683 = tpu.assume_multiple %add3A_682, 256 : i32
      %dma_wait3A_684 = arith.constant 512 : i32
      %dma_wait3A_685 = arith.constant 0 : i32
      %dma_wait3A_686 = tpu.memref_slice %arg6[%dma_wait3A_684, %dma_wait3A_685] : memref<1024x64xf32, #tpu.memory_space<vmem>> -> memref<256x64xf32, #tpu.memory_space<vmem>>
      %dma_wait3A_687 = arith.constant 0 : i32
      %dma_wait3A_688 = tpu.memref_slice %arg4[%multiple_of3A_683, %dma_wait3A_687] : memref<819200x64xf32, #tpu.memory_space<hbm>> -> memref<256x64xf32, #tpu.memory_space<hbm>>
      %dma_wait3A_689 = arith.constant 512 : i32
      %dma_wait3A_690 = arith.constant 0 : i32
      %dma_wait3A_691 = tpu.memref_slice %arg6[%dma_wait3A_689, %dma_wait3A_690] : memref<1024x64xf32, #tpu.memory_space<vmem>> -> memref<256x64xf32, #tpu.memory_space<vmem>>
      %dma_wait3A_692 = arith.constant 0 : i32
      %dma_wait3A_693 = tpu.memref_slice %arg4[%multiple_of3A_683, %dma_wait3A_692] : memref<819200x64xf32, #tpu.memory_space<hbm>> -> memref<256x64xf32, #tpu.memory_space<hbm>>
      tpu.wait_dma2 semaphore(%arg9 : memref<!tpu.dma_semaphore, #tpu.memory_space<semaphore_mem>>) src(%dma_wait3A_693 : memref<256x64xf32, #tpu.memory_space<hbm>>) dst(%dma_wait3A_691 : memref<256x64xf32, #tpu.memory_space<vmem>>)
      %mul3A_694 = arith.constant 256 : i32
      %mul3A_695 = arith.muli %add3A_633, %mul3A_694 : i32
      %add3A_696 = arith.addi %mul3A_2, %mul3A_695 : i32
      %multiple_of3A_697 = tpu.assume_multiple %add3A_696, 256 : i32
      %dma_start3A_698 = arith.constant 512 : i32
      %dma_start3A_699 = arith.constant 0 : i32
      %dma_start3A_700 = tpu.memref_slice %arg6[%dma_start3A_698, %dma_start3A_699] : memref<1024x64xf32, #tpu.memory_space<vmem>> -> memref<256x64xf32, #tpu.memory_space<vmem>>
      %dma_start3A_701 = arith.constant 0 : i32
      %dma_start3A_702 = tpu.memref_slice %arg4[%multiple_of3A_697, %dma_start3A_701] : memref<819200x64xf32, #tpu.memory_space<hbm>> -> memref<256x64xf32, #tpu.memory_space<hbm>>
      %dma_start3A_703 = arith.constant 0 : i32
      %dma_start3A_704 = tpu.memref_slice %arg4[%multiple_of3A_697, %dma_start3A_703] : memref<819200x64xf32, #tpu.memory_space<hbm>> -> memref<256x64xf32, #tpu.memory_space<hbm>>
      %dma_start3A_705 = arith.constant 512 : i32
      %dma_start3A_706 = arith.constant 0 : i32
      %dma_start3A_707 = tpu.memref_slice %arg6[%dma_start3A_705, %dma_start3A_706] : memref<1024x64xf32, #tpu.memory_space<vmem>> -> memref<256x64xf32, #tpu.memory_space<vmem>>
      tpu.enqueue_dma source(%dma_start3A_707 : memref<256x64xf32, #tpu.memory_space<vmem>>) target(%dma_start3A_704 : memref<256x64xf32, #tpu.memory_space<hbm>>) target_semaphore(%arg13 : memref<!tpu.dma_semaphore, #tpu.memory_space<semaphore_mem>>)
      %add3A_708 = arith.constant 3 : i32
      %add3A_709 = arith.addi %mul3A_480, %add3A_708 : i32
      %add3A_710 = arith.constant 2 : i32
      %add3A_711 = arith.addi %add3A_709, %add3A_710 : i32
      %sub3A_712 = arith.constant 4 : i32
      %sub3A_713 = arith.subi %add3A_711, %sub3A_712 : i32
      %mul3A_714 = arith.constant 256 : i32
      %mul3A_715 = arith.muli %sub3A_713, %mul3A_714 : i32
      %add3A_716 = arith.addi %mul3A_2, %mul3A_715 : i32
      %multiple_of3A_717 = tpu.assume_multiple %add3A_716, 256 : i32
      %dma_wait3A_718 = arith.constant 256 : i32
      %dma_wait3A_719 = arith.constant 0 : i32
      %dma_wait3A_720 = tpu.memref_slice %arg6[%dma_wait3A_718, %dma_wait3A_719] : memref<1024x64xf32, #tpu.memory_space<vmem>> -> memref<256x64xf32, #tpu.memory_space<vmem>>
      %dma_wait3A_721 = arith.constant 0 : i32
      %dma_wait3A_722 = tpu.memref_slice %arg4[%multiple_of3A_717, %dma_wait3A_721] : memref<819200x64xf32, #tpu.memory_space<hbm>> -> memref<256x64xf32, #tpu.memory_space<hbm>>
      %dma_wait3A_723 = arith.constant 0 : i32
      %dma_wait3A_724 = tpu.memref_slice %arg4[%multiple_of3A_717, %dma_wait3A_723] : memref<819200x64xf32, #tpu.memory_space<hbm>> -> memref<256x64xf32, #tpu.memory_space<hbm>>
      %dma_wait3A_725 = arith.constant 256 : i32
      %dma_wait3A_726 = arith.constant 0 : i32
      %dma_wait3A_727 = tpu.memref_slice %arg6[%dma_wait3A_725, %dma_wait3A_726] : memref<1024x64xf32, #tpu.memory_space<vmem>> -> memref<256x64xf32, #tpu.memory_space<vmem>>
      tpu.wait_dma2 semaphore(%arg12 : memref<!tpu.dma_semaphore, #tpu.memory_space<semaphore_mem>>) src(%dma_wait3A_727 : memref<256x64xf32, #tpu.memory_space<vmem>>) dst(%dma_wait3A_724 : memref<256x64xf32, #tpu.memory_space<hbm>>)
      %add3A_728 = arith.constant 2 : i32
      %add3A_729 = arith.addi %add3A_709, %add3A_728 : i32
      %mul3A_730 = arith.constant 2 : i32
      %mul3A_731 = arith.muli %add3A_729, %mul3A_730 : i32
      %add3A_732 = arith.constant 0 : i32
      %add3A_733 = arith.addi %mul3A_731, %add3A_732 : i32
      %dma_start3A_734 = arith.constant 256 : i32
      %dma_start3A_735 = arith.constant 0 : i32
      %dma_start3A_736 = tpu.memref_slice %arg6[%dma_start3A_734, %dma_start3A_735] : memref<1024x64xf32, #tpu.memory_space<vmem>> -> memref<128x64xf32, #tpu.memory_space<vmem>>
      %dma_start3A_737 = arith.constant 0 : i32
      %dma_start3A_738 = tpu.memref_slice %arg5[%add3A_733, %dma_start3A_737] : memref<200x128xi32, #tpu.memory_space<vmem>> -> memref<1x128xi32, #tpu.memory_space<vmem>>
      %dma_start3A_739 = tpu.memref_squeeze %dma_start3A_738 : memref<1x128xi32, #tpu.memory_space<vmem>> -> memref<128xi32, #tpu.memory_space<vmem>>
      %dma_start3A_740 = arith.constant 0 : i32
      %dma_start3A_741 = arith.constant 0 : i32
      %dma_start3A_742 = tpu.memref_slice %arg2[%dma_start3A_740, %dma_start3A_741] : memref<1000000x64xf32, #tpu.memory_space<hbm>> -> memref<1000000x64xf32, #tpu.memory_space<hbm>>
      tpu.enqueue_indirect_dma source(%dma_start3A_742 : memref<1000000x64xf32, #tpu.memory_space<hbm>>) target(%dma_start3A_736 : memref<128x64xf32, #tpu.memory_space<vmem>>) offsets(%dma_start3A_739 : memref<128xi32, #tpu.memory_space<vmem>>) semaphore(%arg8 : memref<!tpu.dma_semaphore, #tpu.memory_space<semaphore_mem>>)
      %mul3A_743 = arith.constant 2 : i32
      %mul3A_744 = arith.muli %add3A_729, %mul3A_743 : i32
      %add3A_745 = arith.constant 1 : i32
      %add3A_746 = arith.addi %mul3A_744, %add3A_745 : i32
      %dma_start3A_747 = arith.constant 384 : i32
      %dma_start3A_748 = arith.constant 0 : i32
      %dma_start3A_749 = tpu.memref_slice %arg6[%dma_start3A_747, %dma_start3A_748] : memref<1024x64xf32, #tpu.memory_space<vmem>> -> memref<128x64xf32, #tpu.memory_space<vmem>>
      %dma_start3A_750 = arith.constant 0 : i32
      %dma_start3A_751 = tpu.memref_slice %arg5[%add3A_746, %dma_start3A_750] : memref<200x128xi32, #tpu.memory_space<vmem>> -> memref<1x128xi32, #tpu.memory_space<vmem>>
      %dma_start3A_752 = tpu.memref_squeeze %dma_start3A_751 : memref<1x128xi32, #tpu.memory_space<vmem>> -> memref<128xi32, #tpu.memory_space<vmem>>
      %dma_start3A_753 = arith.constant 0 : i32
      %dma_start3A_754 = arith.constant 0 : i32
      %dma_start3A_755 = tpu.memref_slice %arg2[%dma_start3A_753, %dma_start3A_754] : memref<1000000x64xf32, #tpu.memory_space<hbm>> -> memref<1000000x64xf32, #tpu.memory_space<hbm>>
      tpu.enqueue_indirect_dma source(%dma_start3A_755 : memref<1000000x64xf32, #tpu.memory_space<hbm>>) target(%dma_start3A_749 : memref<128x64xf32, #tpu.memory_space<vmem>>) offsets(%dma_start3A_752 : memref<128xi32, #tpu.memory_space<vmem>>) semaphore(%arg8 : memref<!tpu.dma_semaphore, #tpu.memory_space<semaphore_mem>>)
      %mul3A_756 = arith.constant 256 : i32
      %mul3A_757 = arith.muli %add3A_709, %mul3A_756 : i32
      %add3A_758 = arith.addi %mul3A_2, %mul3A_757 : i32
      %multiple_of3A_759 = tpu.assume_multiple %add3A_758, 256 : i32
      %dma_wait3A_760 = arith.constant 768 : i32
      %dma_wait3A_761 = arith.constant 0 : i32
      %dma_wait3A_762 = tpu.memref_slice %arg6[%dma_wait3A_760, %dma_wait3A_761] : memref<1024x64xf32, #tpu.memory_space<vmem>> -> memref<256x64xf32, #tpu.memory_space<vmem>>
      %dma_wait3A_763 = arith.constant 0 : i32
      %dma_wait3A_764 = tpu.memref_slice %arg4[%multiple_of3A_759, %dma_wait3A_763] : memref<819200x64xf32, #tpu.memory_space<hbm>> -> memref<256x64xf32, #tpu.memory_space<hbm>>
      %dma_wait3A_765 = arith.constant 768 : i32
      %dma_wait3A_766 = arith.constant 0 : i32
      %dma_wait3A_767 = tpu.memref_slice %arg6[%dma_wait3A_765, %dma_wait3A_766] : memref<1024x64xf32, #tpu.memory_space<vmem>> -> memref<256x64xf32, #tpu.memory_space<vmem>>
      %dma_wait3A_768 = arith.constant 0 : i32
      %dma_wait3A_769 = tpu.memref_slice %arg4[%multiple_of3A_759, %dma_wait3A_768] : memref<819200x64xf32, #tpu.memory_space<hbm>> -> memref<256x64xf32, #tpu.memory_space<hbm>>
      tpu.wait_dma2 semaphore(%arg10 : memref<!tpu.dma_semaphore, #tpu.memory_space<semaphore_mem>>) src(%dma_wait3A_769 : memref<256x64xf32, #tpu.memory_space<hbm>>) dst(%dma_wait3A_767 : memref<256x64xf32, #tpu.memory_space<vmem>>)
      %mul3A_770 = arith.constant 256 : i32
      %mul3A_771 = arith.muli %add3A_709, %mul3A_770 : i32
      %add3A_772 = arith.addi %mul3A_2, %mul3A_771 : i32
      %multiple_of3A_773 = tpu.assume_multiple %add3A_772, 256 : i32
      %dma_start3A_774 = arith.constant 768 : i32
      %dma_start3A_775 = arith.constant 0 : i32
      %dma_start3A_776 = tpu.memref_slice %arg6[%dma_start3A_774, %dma_start3A_775] : memref<1024x64xf32, #tpu.memory_space<vmem>> -> memref<256x64xf32, #tpu.memory_space<vmem>>
      %dma_start3A_777 = arith.constant 0 : i32
      %dma_start3A_778 = tpu.memref_slice %arg4[%multiple_of3A_773, %dma_start3A_777] : memref<819200x64xf32, #tpu.memory_space<hbm>> -> memref<256x64xf32, #tpu.memory_space<hbm>>
      %dma_start3A_779 = arith.constant 0 : i32
      %dma_start3A_780 = tpu.memref_slice %arg4[%multiple_of3A_773, %dma_start3A_779] : memref<819200x64xf32, #tpu.memory_space<hbm>> -> memref<256x64xf32, #tpu.memory_space<hbm>>
      %dma_start3A_781 = arith.constant 768 : i32
      %dma_start3A_782 = arith.constant 0 : i32
      %dma_start3A_783 = tpu.memref_slice %arg6[%dma_start3A_781, %dma_start3A_782] : memref<1024x64xf32, #tpu.memory_space<vmem>> -> memref<256x64xf32, #tpu.memory_space<vmem>>
      tpu.enqueue_dma source(%dma_start3A_783 : memref<256x64xf32, #tpu.memory_space<vmem>>) target(%dma_start3A_780 : memref<256x64xf32, #tpu.memory_space<hbm>>) target_semaphore(%arg14 : memref<!tpu.dma_semaphore, #tpu.memory_space<semaphore_mem>>)
    }
    %scan3A_255 = arith.constant 23 : i32
    %add3A_256 = arith.constant 24064 : i32
    %add3A_257 = arith.addi %mul3A_2, %add3A_256 : i32
    %multiple_of3A_258 = tpu.assume_multiple %add3A_257, 256 : i32
    %dma_wait3A_259 = arith.constant 512 : i32
    %dma_wait3A_260 = arith.constant 0 : i32
    %dma_wait3A_261 = tpu.memref_slice %arg6[%dma_wait3A_259, %dma_wait3A_260] : memref<1024x64xf32, #tpu.memory_space<vmem>> -> memref<256x64xf32, #tpu.memory_space<vmem>>
    %dma_wait3A_262 = arith.constant 0 : i32
    %dma_wait3A_263 = tpu.memref_slice %arg4[%multiple_of3A_258, %dma_wait3A_262] : memref<819200x64xf32, #tpu.memory_space<hbm>> -> memref<256x64xf32, #tpu.memory_space<hbm>>
    %dma_wait3A_264 = arith.constant 0 : i32
    %dma_wait3A_265 = tpu.memref_slice %arg4[%multiple_of3A_258, %dma_wait3A_264] : memref<819200x64xf32, #tpu.memory_space<hbm>> -> memref<256x64xf32, #tpu.memory_space<hbm>>
    %dma_wait3A_266 = arith.constant 512 : i32
    %dma_wait3A_267 = arith.constant 0 : i32
    %dma_wait3A_268 = tpu.memref_slice %arg6[%dma_wait3A_266, %dma_wait3A_267] : memref<1024x64xf32, #tpu.memory_space<vmem>> -> memref<256x64xf32, #tpu.memory_space<vmem>>
    tpu.wait_dma2 semaphore(%arg13 : memref<!tpu.dma_semaphore, #tpu.memory_space<semaphore_mem>>) src(%dma_wait3A_268 : memref<256x64xf32, #tpu.memory_space<vmem>>) dst(%dma_wait3A_265 : memref<256x64xf32, #tpu.memory_space<hbm>>)
    %dma_start3A_269 = arith.constant 196 : i32
    %dma_start3A_270 = arith.constant 512 : i32
    %dma_start3A_271 = arith.constant 0 : i32
    %dma_start3A_272 = tpu.memref_slice %arg6[%dma_start3A_270, %dma_start3A_271] : memref<1024x64xf32, #tpu.memory_space<vmem>> -> memref<128x64xf32, #tpu.memory_space<vmem>>
    %dma_start3A_273 = arith.constant 0 : i32
    %dma_start3A_274 = tpu.memref_slice %arg5[%dma_start3A_269, %dma_start3A_273] : memref<200x128xi32, #tpu.memory_space<vmem>> -> memref<1x128xi32, #tpu.memory_space<vmem>>
    %dma_start3A_275 = tpu.memref_squeeze %dma_start3A_274 : memref<1x128xi32, #tpu.memory_space<vmem>> -> memref<128xi32, #tpu.memory_space<vmem>>
    %dma_start3A_276 = arith.constant 0 : i32
    %dma_start3A_277 = arith.constant 0 : i32
    %dma_start3A_278 = tpu.memref_slice %arg2[%dma_start3A_276, %dma_start3A_277] : memref<1000000x64xf32, #tpu.memory_space<hbm>> -> memref<1000000x64xf32, #tpu.memory_space<hbm>>
    tpu.enqueue_indirect_dma source(%dma_start3A_278 : memref<1000000x64xf32, #tpu.memory_space<hbm>>) target(%dma_start3A_272 : memref<128x64xf32, #tpu.memory_space<vmem>>) offsets(%dma_start3A_275 : memref<128xi32, #tpu.memory_space<vmem>>) semaphore(%arg9 : memref<!tpu.dma_semaphore, #tpu.memory_space<semaphore_mem>>)
    %dma_start3A_279 = arith.constant 197 : i32
    %dma_start3A_280 = arith.constant 640 : i32
    %dma_start3A_281 = arith.constant 0 : i32
    %dma_start3A_282 = tpu.memref_slice %arg6[%dma_start3A_280, %dma_start3A_281] : memref<1024x64xf32, #tpu.memory_space<vmem>> -> memref<128x64xf32, #tpu.memory_space<vmem>>
    %dma_start3A_283 = arith.constant 0 : i32
    %dma_start3A_284 = tpu.memref_slice %arg5[%dma_start3A_279, %dma_start3A_283] : memref<200x128xi32, #tpu.memory_space<vmem>> -> memref<1x128xi32, #tpu.memory_space<vmem>>
    %dma_start3A_285 = tpu.memref_squeeze %dma_start3A_284 : memref<1x128xi32, #tpu.memory_space<vmem>> -> memref<128xi32, #tpu.memory_space<vmem>>
    %dma_start3A_286 = arith.constant 0 : i32
    %dma_start3A_287 = arith.constant 0 : i32
    %dma_start3A_288 = tpu.memref_slice %arg2[%dma_start3A_286, %dma_start3A_287] : memref<1000000x64xf32, #tpu.memory_space<hbm>> -> memref<1000000x64xf32, #tpu.memory_space<hbm>>
    tpu.enqueue_indirect_dma source(%dma_start3A_288 : memref<1000000x64xf32, #tpu.memory_space<hbm>>) target(%dma_start3A_282 : memref<128x64xf32, #tpu.memory_space<vmem>>) offsets(%dma_start3A_285 : memref<128xi32, #tpu.memory_space<vmem>>) semaphore(%arg9 : memref<!tpu.dma_semaphore, #tpu.memory_space<semaphore_mem>>)
    %add3A_289 = arith.constant 24576 : i32
    %add3A_290 = arith.addi %mul3A_2, %add3A_289 : i32
    %multiple_of3A_291 = tpu.assume_multiple %add3A_290, 256 : i32
    %dma_wait3A_292 = arith.constant 0 : i32
    %dma_wait3A_293 = arith.constant 0 : i32
    %dma_wait3A_294 = tpu.memref_slice %arg6[%dma_wait3A_292, %dma_wait3A_293] : memref<1024x64xf32, #tpu.memory_space<vmem>> -> memref<256x64xf32, #tpu.memory_space<vmem>>
    %dma_wait3A_295 = arith.constant 0 : i32
    %dma_wait3A_296 = tpu.memref_slice %arg4[%multiple_of3A_291, %dma_wait3A_295] : memref<819200x64xf32, #tpu.memory_space<hbm>> -> memref<256x64xf32, #tpu.memory_space<hbm>>
    %dma_wait3A_297 = arith.constant 0 : i32
    %dma_wait3A_298 = arith.constant 0 : i32
    %dma_wait3A_299 = tpu.memref_slice %arg6[%dma_wait3A_297, %dma_wait3A_298] : memref<1024x64xf32, #tpu.memory_space<vmem>> -> memref<256x64xf32, #tpu.memory_space<vmem>>
    %dma_wait3A_300 = arith.constant 0 : i32
    %dma_wait3A_301 = tpu.memref_slice %arg4[%multiple_of3A_291, %dma_wait3A_300] : memref<819200x64xf32, #tpu.memory_space<hbm>> -> memref<256x64xf32, #tpu.memory_space<hbm>>
    tpu.wait_dma2 semaphore(%arg7 : memref<!tpu.dma_semaphore, #tpu.memory_space<semaphore_mem>>) src(%dma_wait3A_301 : memref<256x64xf32, #tpu.memory_space<hbm>>) dst(%dma_wait3A_299 : memref<256x64xf32, #tpu.memory_space<vmem>>)
    %add3A_302 = arith.constant 24576 : i32
    %add3A_303 = arith.addi %mul3A_2, %add3A_302 : i32
    %multiple_of3A_304 = tpu.assume_multiple %add3A_303, 256 : i32
    %dma_start3A_305 = arith.constant 0 : i32
    %dma_start3A_306 = arith.constant 0 : i32
    %dma_start3A_307 = tpu.memref_slice %arg6[%dma_start3A_305, %dma_start3A_306] : memref<1024x64xf32, #tpu.memory_space<vmem>> -> memref<256x64xf32, #tpu.memory_space<vmem>>
    %dma_start3A_308 = arith.constant 0 : i32
    %dma_start3A_309 = tpu.memref_slice %arg4[%multiple_of3A_304, %dma_start3A_308] : memref<819200x64xf32, #tpu.memory_space<hbm>> -> memref<256x64xf32, #tpu.memory_space<hbm>>
    %dma_start3A_310 = arith.constant 0 : i32
    %dma_start3A_311 = tpu.memref_slice %arg4[%multiple_of3A_304, %dma_start3A_310] : memref<819200x64xf32, #tpu.memory_space<hbm>> -> memref<256x64xf32, #tpu.memory_space<hbm>>
    %dma_start3A_312 = arith.constant 0 : i32
    %dma_start3A_313 = arith.constant 0 : i32
    %dma_start3A_314 = tpu.memref_slice %arg6[%dma_start3A_312, %dma_start3A_313] : memref<1024x64xf32, #tpu.memory_space<vmem>> -> memref<256x64xf32, #tpu.memory_space<vmem>>
    tpu.enqueue_dma source(%dma_start3A_314 : memref<256x64xf32, #tpu.memory_space<vmem>>) target(%dma_start3A_311 : memref<256x64xf32, #tpu.memory_space<hbm>>) target_semaphore(%arg11 : memref<!tpu.dma_semaphore, #tpu.memory_space<semaphore_mem>>)
    %add3A_315 = arith.constant 24320 : i32
    %add3A_316 = arith.addi %mul3A_2, %add3A_315 : i32
    %multiple_of3A_317 = tpu.assume_multiple %add3A_316, 256 : i32
    %dma_wait3A_318 = arith.constant 768 : i32
    %dma_wait3A_319 = arith.constant 0 : i32
    %dma_wait3A_320 = tpu.memref_slice %arg6[%dma_wait3A_318, %dma_wait3A_319] : memref<1024x64xf32, #tpu.memory_space<vmem>> -> memref<256x64xf32, #tpu.memory_space<vmem>>
    %dma_wait3A_321 = arith.constant 0 : i32
    %dma_wait3A_322 = tpu.memref_slice %arg4[%multiple_of3A_317, %dma_wait3A_321] : memref<819200x64xf32, #tpu.memory_space<hbm>> -> memref<256x64xf32, #tpu.memory_space<hbm>>
    %dma_wait3A_323 = arith.constant 0 : i32
    %dma_wait3A_324 = tpu.memref_slice %arg4[%multiple_of3A_317, %dma_wait3A_323] : memref<819200x64xf32, #tpu.memory_space<hbm>> -> memref<256x64xf32, #tpu.memory_space<hbm>>
    %dma_wait3A_325 = arith.constant 768 : i32
    %dma_wait3A_326 = arith.constant 0 : i32
    %dma_wait3A_327 = tpu.memref_slice %arg6[%dma_wait3A_325, %dma_wait3A_326] : memref<1024x64xf32, #tpu.memory_space<vmem>> -> memref<256x64xf32, #tpu.memory_space<vmem>>
    tpu.wait_dma2 semaphore(%arg14 : memref<!tpu.dma_semaphore, #tpu.memory_space<semaphore_mem>>) src(%dma_wait3A_327 : memref<256x64xf32, #tpu.memory_space<vmem>>) dst(%dma_wait3A_324 : memref<256x64xf32, #tpu.memory_space<hbm>>)
    %dma_start3A_328 = arith.constant 198 : i32
    %dma_start3A_329 = arith.constant 768 : i32
    %dma_start3A_330 = arith.constant 0 : i32
    %dma_start3A_331 = tpu.memref_slice %arg6[%dma_start3A_329, %dma_start3A_330] : memref<1024x64xf32, #tpu.memory_space<vmem>> -> memref<128x64xf32, #tpu.memory_space<vmem>>
    %dma_start3A_332 = arith.constant 0 : i32
    %dma_start3A_333 = tpu.memref_slice %arg5[%dma_start3A_328, %dma_start3A_332] : memref<200x128xi32, #tpu.memory_space<vmem>> -> memref<1x128xi32, #tpu.memory_space<vmem>>
    %dma_start3A_334 = tpu.memref_squeeze %dma_start3A_333 : memref<1x128xi32, #tpu.memory_space<vmem>> -> memref<128xi32, #tpu.memory_space<vmem>>
    %dma_start3A_335 = arith.constant 0 : i32
    %dma_start3A_336 = arith.constant 0 : i32
    %dma_start3A_337 = tpu.memref_slice %arg2[%dma_start3A_335, %dma_start3A_336] : memref<1000000x64xf32, #tpu.memory_space<hbm>> -> memref<1000000x64xf32, #tpu.memory_space<hbm>>
    tpu.enqueue_indirect_dma source(%dma_start3A_337 : memref<1000000x64xf32, #tpu.memory_space<hbm>>) target(%dma_start3A_331 : memref<128x64xf32, #tpu.memory_space<vmem>>) offsets(%dma_start3A_334 : memref<128xi32, #tpu.memory_space<vmem>>) semaphore(%arg10 : memref<!tpu.dma_semaphore, #tpu.memory_space<semaphore_mem>>)
    %dma_start3A_338 = arith.constant 199 : i32
    %dma_start3A_339 = arith.constant 896 : i32
    %dma_start3A_340 = arith.constant 0 : i32
    %dma_start3A_341 = tpu.memref_slice %arg6[%dma_start3A_339, %dma_start3A_340] : memref<1024x64xf32, #tpu.memory_space<vmem>> -> memref<128x64xf32, #tpu.memory_space<vmem>>
    %dma_start3A_342 = arith.constant 0 : i32
    %dma_start3A_343 = tpu.memref_slice %arg5[%dma_start3A_338, %dma_start3A_342] : memref<200x128xi32, #tpu.memory_space<vmem>> -> memref<1x128xi32, #tpu.memory_space<vmem>>
    %dma_start3A_344 = tpu.memref_squeeze %dma_start3A_343 : memref<1x128xi32, #tpu.memory_space<vmem>> -> memref<128xi32, #tpu.memory_space<vmem>>
    %dma_start3A_345 = arith.constant 0 : i32
    %dma_start3A_346 = arith.constant 0 : i32
    %dma_start3A_347 = tpu.memref_slice %arg2[%dma_start3A_345, %dma_start3A_346] : memref<1000000x64xf32, #tpu.memory_space<hbm>> -> memref<1000000x64xf32, #tpu.memory_space<hbm>>
    tpu.enqueue_indirect_dma source(%dma_start3A_347 : memref<1000000x64xf32, #tpu.memory_space<hbm>>) target(%dma_start3A_341 : memref<128x64xf32, #tpu.memory_space<vmem>>) offsets(%dma_start3A_344 : memref<128xi32, #tpu.memory_space<vmem>>) semaphore(%arg10 : memref<!tpu.dma_semaphore, #tpu.memory_space<semaphore_mem>>)
    %add3A_348 = arith.constant 24832 : i32
    %add3A_349 = arith.addi %mul3A_2, %add3A_348 : i32
    %multiple_of3A_350 = tpu.assume_multiple %add3A_349, 256 : i32
    %dma_wait3A_351 = arith.constant 256 : i32
    %dma_wait3A_352 = arith.constant 0 : i32
    %dma_wait3A_353 = tpu.memref_slice %arg6[%dma_wait3A_351, %dma_wait3A_352] : memref<1024x64xf32, #tpu.memory_space<vmem>> -> memref<256x64xf32, #tpu.memory_space<vmem>>
    %dma_wait3A_354 = arith.constant 0 : i32
    %dma_wait3A_355 = tpu.memref_slice %arg4[%multiple_of3A_350, %dma_wait3A_354] : memref<819200x64xf32, #tpu.memory_space<hbm>> -> memref<256x64xf32, #tpu.memory_space<hbm>>
    %dma_wait3A_356 = arith.constant 256 : i32
    %dma_wait3A_357 = arith.constant 0 : i32
    %dma_wait3A_358 = tpu.memref_slice %arg6[%dma_wait3A_356, %dma_wait3A_357] : memref<1024x64xf32, #tpu.memory_space<vmem>> -> memref<256x64xf32, #tpu.memory_space<vmem>>
    %dma_wait3A_359 = arith.constant 0 : i32
    %dma_wait3A_360 = tpu.memref_slice %arg4[%multiple_of3A_350, %dma_wait3A_359] : memref<819200x64xf32, #tpu.memory_space<hbm>> -> memref<256x64xf32, #tpu.memory_space<hbm>>
    tpu.wait_dma2 semaphore(%arg8 : memref<!tpu.dma_semaphore, #tpu.memory_space<semaphore_mem>>) src(%dma_wait3A_360 : memref<256x64xf32, #tpu.memory_space<hbm>>) dst(%dma_wait3A_358 : memref<256x64xf32, #tpu.memory_space<vmem>>)
    %add3A_361 = arith.constant 24832 : i32
    %add3A_362 = arith.addi %mul3A_2, %add3A_361 : i32
    %multiple_of3A_363 = tpu.assume_multiple %add3A_362, 256 : i32
    %dma_start3A_364 = arith.constant 256 : i32
    %dma_start3A_365 = arith.constant 0 : i32
    %dma_start3A_366 = tpu.memref_slice %arg6[%dma_start3A_364, %dma_start3A_365] : memref<1024x64xf32, #tpu.memory_space<vmem>> -> memref<256x64xf32, #tpu.memory_space<vmem>>
    %dma_start3A_367 = arith.constant 0 : i32
    %dma_start3A_368 = tpu.memref_slice %arg4[%multiple_of3A_363, %dma_start3A_367] : memref<819200x64xf32, #tpu.memory_space<hbm>> -> memref<256x64xf32, #tpu.memory_space<hbm>>
    %dma_start3A_369 = arith.constant 0 : i32
    %dma_start3A_370 = tpu.memref_slice %arg4[%multiple_of3A_363, %dma_start3A_369] : memref<819200x64xf32, #tpu.memory_space<hbm>> -> memref<256x64xf32, #tpu.memory_space<hbm>>
    %dma_start3A_371 = arith.constant 256 : i32
    %dma_start3A_372 = arith.constant 0 : i32
    %dma_start3A_373 = tpu.memref_slice %arg6[%dma_start3A_371, %dma_start3A_372] : memref<1024x64xf32, #tpu.memory_space<vmem>> -> memref<256x64xf32, #tpu.memory_space<vmem>>
    tpu.enqueue_dma source(%dma_start3A_373 : memref<256x64xf32, #tpu.memory_space<vmem>>) target(%dma_start3A_370 : memref<256x64xf32, #tpu.memory_space<hbm>>) target_semaphore(%arg12 : memref<!tpu.dma_semaphore, #tpu.memory_space<semaphore_mem>>)
    %add3A_374 = arith.constant 25088 : i32
    %add3A_375 = arith.addi %mul3A_2, %add3A_374 : i32
    %multiple_of3A_376 = tpu.assume_multiple %add3A_375, 256 : i32
    %dma_wait3A_377 = arith.constant 512 : i32
    %dma_wait3A_378 = arith.constant 0 : i32
    %dma_wait3A_379 = tpu.memref_slice %arg6[%dma_wait3A_377, %dma_wait3A_378] : memref<1024x64xf32, #tpu.memory_space<vmem>> -> memref<256x64xf32, #tpu.memory_space<vmem>>
    %dma_wait3A_380 = arith.constant 0 : i32
    %dma_wait3A_381 = tpu.memref_slice %arg4[%multiple_of3A_376, %dma_wait3A_380] : memref<819200x64xf32, #tpu.memory_space<hbm>> -> memref<256x64xf32, #tpu.memory_space<hbm>>
    %dma_wait3A_382 = arith.constant 512 : i32
    %dma_wait3A_383 = arith.constant 0 : i32
    %dma_wait3A_384 = tpu.memref_slice %arg6[%dma_wait3A_382, %dma_wait3A_383] : memref<1024x64xf32, #tpu.memory_space<vmem>> -> memref<256x64xf32, #tpu.memory_space<vmem>>
    %dma_wait3A_385 = arith.constant 0 : i32
    %dma_wait3A_386 = tpu.memref_slice %arg4[%multiple_of3A_376, %dma_wait3A_385] : memref<819200x64xf32, #tpu.memory_space<hbm>> -> memref<256x64xf32, #tpu.memory_space<hbm>>
    tpu.wait_dma2 semaphore(%arg9 : memref<!tpu.dma_semaphore, #tpu.memory_space<semaphore_mem>>) src(%dma_wait3A_386 : memref<256x64xf32, #tpu.memory_space<hbm>>) dst(%dma_wait3A_384 : memref<256x64xf32, #tpu.memory_space<vmem>>)
    %add3A_387 = arith.constant 25088 : i32
    %add3A_388 = arith.addi %mul3A_2, %add3A_387 : i32
    %multiple_of3A_389 = tpu.assume_multiple %add3A_388, 256 : i32
    %dma_start3A_390 = arith.constant 512 : i32
    %dma_start3A_391 = arith.constant 0 : i32
    %dma_start3A_392 = tpu.memref_slice %arg6[%dma_start3A_390, %dma_start3A_391] : memref<1024x64xf32, #tpu.memory_space<vmem>> -> memref<256x64xf32, #tpu.memory_space<vmem>>
    %dma_start3A_393 = arith.constant 0 : i32
    %dma_start3A_394 = tpu.memref_slice %arg4[%multiple_of3A_389, %dma_start3A_393] : memref<819200x64xf32, #tpu.memory_space<hbm>> -> memref<256x64xf32, #tpu.memory_space<hbm>>
    %dma_start3A_395 = arith.constant 0 : i32
    %dma_start3A_396 = tpu.memref_slice %arg4[%multiple_of3A_389, %dma_start3A_395] : memref<819200x64xf32, #tpu.memory_space<hbm>> -> memref<256x64xf32, #tpu.memory_space<hbm>>
    %dma_start3A_397 = arith.constant 512 : i32
    %dma_start3A_398 = arith.constant 0 : i32
    %dma_start3A_399 = tpu.memref_slice %arg6[%dma_start3A_397, %dma_start3A_398] : memref<1024x64xf32, #tpu.memory_space<vmem>> -> memref<256x64xf32, #tpu.memory_space<vmem>>
    tpu.enqueue_dma source(%dma_start3A_399 : memref<256x64xf32, #tpu.memory_space<vmem>>) target(%dma_start3A_396 : memref<256x64xf32, #tpu.memory_space<hbm>>) target_semaphore(%arg13 : memref<!tpu.dma_semaphore, #tpu.memory_space<semaphore_mem>>)
    %add3A_400 = arith.constant 25344 : i32
    %add3A_401 = arith.addi %mul3A_2, %add3A_400 : i32
    %multiple_of3A_402 = tpu.assume_multiple %add3A_401, 256 : i32
    %dma_wait3A_403 = arith.constant 768 : i32
    %dma_wait3A_404 = arith.constant 0 : i32
    %dma_wait3A_405 = tpu.memref_slice %arg6[%dma_wait3A_403, %dma_wait3A_404] : memref<1024x64xf32, #tpu.memory_space<vmem>> -> memref<256x64xf32, #tpu.memory_space<vmem>>
    %dma_wait3A_406 = arith.constant 0 : i32
    %dma_wait3A_407 = tpu.memref_slice %arg4[%multiple_of3A_402, %dma_wait3A_406] : memref<819200x64xf32, #tpu.memory_space<hbm>> -> memref<256x64xf32, #tpu.memory_space<hbm>>
    %dma_wait3A_408 = arith.constant 768 : i32
    %dma_wait3A_409 = arith.constant 0 : i32
    %dma_wait3A_410 = tpu.memref_slice %arg6[%dma_wait3A_408, %dma_wait3A_409] : memref<1024x64xf32, #tpu.memory_space<vmem>> -> memref<256x64xf32, #tpu.memory_space<vmem>>
    %dma_wait3A_411 = arith.constant 0 : i32
    %dma_wait3A_412 = tpu.memref_slice %arg4[%multiple_of3A_402, %dma_wait3A_411] : memref<819200x64xf32, #tpu.memory_space<hbm>> -> memref<256x64xf32, #tpu.memory_space<hbm>>
    tpu.wait_dma2 semaphore(%arg10 : memref<!tpu.dma_semaphore, #tpu.memory_space<semaphore_mem>>) src(%dma_wait3A_412 : memref<256x64xf32, #tpu.memory_space<hbm>>) dst(%dma_wait3A_410 : memref<256x64xf32, #tpu.memory_space<vmem>>)
    %add3A_413 = arith.constant 25344 : i32
    %add3A_414 = arith.addi %mul3A_2, %add3A_413 : i32
    %multiple_of3A_415 = tpu.assume_multiple %add3A_414, 256 : i32
    %dma_start3A_416 = arith.constant 768 : i32
    %dma_start3A_417 = arith.constant 0 : i32
    %dma_start3A_418 = tpu.memref_slice %arg6[%dma_start3A_416, %dma_start3A_417] : memref<1024x64xf32, #tpu.memory_space<vmem>> -> memref<256x64xf32, #tpu.memory_space<vmem>>
    %dma_start3A_419 = arith.constant 0 : i32
    %dma_start3A_420 = tpu.memref_slice %arg4[%multiple_of3A_415, %dma_start3A_419] : memref<819200x64xf32, #tpu.memory_space<hbm>> -> memref<256x64xf32, #tpu.memory_space<hbm>>
    %dma_start3A_421 = arith.constant 0 : i32
    %dma_start3A_422 = tpu.memref_slice %arg4[%multiple_of3A_415, %dma_start3A_421] : memref<819200x64xf32, #tpu.memory_space<hbm>> -> memref<256x64xf32, #tpu.memory_space<hbm>>
    %dma_start3A_423 = arith.constant 768 : i32
    %dma_start3A_424 = arith.constant 0 : i32
    %dma_start3A_425 = tpu.memref_slice %arg6[%dma_start3A_423, %dma_start3A_424] : memref<1024x64xf32, #tpu.memory_space<vmem>> -> memref<256x64xf32, #tpu.memory_space<vmem>>
    tpu.enqueue_dma source(%dma_start3A_425 : memref<256x64xf32, #tpu.memory_space<vmem>>) target(%dma_start3A_422 : memref<256x64xf32, #tpu.memory_space<hbm>>) target_semaphore(%arg14 : memref<!tpu.dma_semaphore, #tpu.memory_space<semaphore_mem>>)
    %add3A_426 = arith.constant 24576 : i32
    %add3A_427 = arith.addi %mul3A_2, %add3A_426 : i32
    %multiple_of3A_428 = tpu.assume_multiple %add3A_427, 256 : i32
    %dma_wait3A_429 = arith.constant 0 : i32
    %dma_wait3A_430 = arith.constant 0 : i32
    %dma_wait3A_431 = tpu.memref_slice %arg6[%dma_wait3A_429, %dma_wait3A_430] : memref<1024x64xf32, #tpu.memory_space<vmem>> -> memref<256x64xf32, #tpu.memory_space<vmem>>
    %dma_wait3A_432 = arith.constant 0 : i32
    %dma_wait3A_433 = tpu.memref_slice %arg4[%multiple_of3A_428, %dma_wait3A_432] : memref<819200x64xf32, #tpu.memory_space<hbm>> -> memref<256x64xf32, #tpu.memory_space<hbm>>
    %dma_wait3A_434 = arith.constant 0 : i32
    %dma_wait3A_435 = tpu.memref_slice %arg4[%multiple_of3A_428, %dma_wait3A_434] : memref<819200x64xf32, #tpu.memory_space<hbm>> -> memref<256x64xf32, #tpu.memory_space<hbm>>
    %dma_wait3A_436 = arith.constant 0 : i32
    %dma_wait3A_437 = arith.constant 0 : i32
    %dma_wait3A_438 = tpu.memref_slice %arg6[%dma_wait3A_436, %dma_wait3A_437] : memref<1024x64xf32, #tpu.memory_space<vmem>> -> memref<256x64xf32, #tpu.memory_space<vmem>>
    tpu.wait_dma2 semaphore(%arg11 : memref<!tpu.dma_semaphore, #tpu.memory_space<semaphore_mem>>) src(%dma_wait3A_438 : memref<256x64xf32, #tpu.memory_space<vmem>>) dst(%dma_wait3A_435 : memref<256x64xf32, #tpu.memory_space<hbm>>)
    %add3A_439 = arith.constant 24832 : i32
    %add3A_440 = arith.addi %mul3A_2, %add3A_439 : i32
    %multiple_of3A_441 = tpu.assume_multiple %add3A_440, 256 : i32
    %dma_wait3A_442 = arith.constant 256 : i32
    %dma_wait3A_443 = arith.constant 0 : i32
    %dma_wait3A_444 = tpu.memref_slice %arg6[%dma_wait3A_442, %dma_wait3A_443] : memref<1024x64xf32, #tpu.memory_space<vmem>> -> memref<256x64xf32, #tpu.memory_space<vmem>>
    %dma_wait3A_445 = arith.constant 0 : i32
    %dma_wait3A_446 = tpu.memref_slice %arg4[%multiple_of3A_441, %dma_wait3A_445] : memref<819200x64xf32, #tpu.memory_space<hbm>> -> memref<256x64xf32, #tpu.memory_space<hbm>>
    %dma_wait3A_447 = arith.constant 0 : i32
    %dma_wait3A_448 = tpu.memref_slice %arg4[%multiple_of3A_441, %dma_wait3A_447] : memref<819200x64xf32, #tpu.memory_space<hbm>> -> memref<256x64xf32, #tpu.memory_space<hbm>>
    %dma_wait3A_449 = arith.constant 256 : i32
    %dma_wait3A_450 = arith.constant 0 : i32
    %dma_wait3A_451 = tpu.memref_slice %arg6[%dma_wait3A_449, %dma_wait3A_450] : memref<1024x64xf32, #tpu.memory_space<vmem>> -> memref<256x64xf32, #tpu.memory_space<vmem>>
    tpu.wait_dma2 semaphore(%arg12 : memref<!tpu.dma_semaphore, #tpu.memory_space<semaphore_mem>>) src(%dma_wait3A_451 : memref<256x64xf32, #tpu.memory_space<vmem>>) dst(%dma_wait3A_448 : memref<256x64xf32, #tpu.memory_space<hbm>>)
    %add3A_452 = arith.constant 25088 : i32
    %add3A_453 = arith.addi %mul3A_2, %add3A_452 : i32
    %multiple_of3A_454 = tpu.assume_multiple %add3A_453, 256 : i32
    %dma_wait3A_455 = arith.constant 512 : i32
    %dma_wait3A_456 = arith.constant 0 : i32
    %dma_wait3A_457 = tpu.memref_slice %arg6[%dma_wait3A_455, %dma_wait3A_456] : memref<1024x64xf32, #tpu.memory_space<vmem>> -> memref<256x64xf32, #tpu.memory_space<vmem>>
    %dma_wait3A_458 = arith.constant 0 : i32
    %dma_wait3A_459 = tpu.memref_slice %arg4[%multiple_of3A_454, %dma_wait3A_458] : memref<819200x64xf32, #tpu.memory_space<hbm>> -> memref<256x64xf32, #tpu.memory_space<hbm>>
    %dma_wait3A_460 = arith.constant 0 : i32
    %dma_wait3A_461 = tpu.memref_slice %arg4[%multiple_of3A_454, %dma_wait3A_460] : memref<819200x64xf32, #tpu.memory_space<hbm>> -> memref<256x64xf32, #tpu.memory_space<hbm>>
    %dma_wait3A_462 = arith.constant 512 : i32
    %dma_wait3A_463 = arith.constant 0 : i32
    %dma_wait3A_464 = tpu.memref_slice %arg6[%dma_wait3A_462, %dma_wait3A_463] : memref<1024x64xf32, #tpu.memory_space<vmem>> -> memref<256x64xf32, #tpu.memory_space<vmem>>
    tpu.wait_dma2 semaphore(%arg13 : memref<!tpu.dma_semaphore, #tpu.memory_space<semaphore_mem>>) src(%dma_wait3A_464 : memref<256x64xf32, #tpu.memory_space<vmem>>) dst(%dma_wait3A_461 : memref<256x64xf32, #tpu.memory_space<hbm>>)
    %add3A_465 = arith.constant 25344 : i32
    %add3A_466 = arith.addi %mul3A_2, %add3A_465 : i32
    %multiple_of3A_467 = tpu.assume_multiple %add3A_466, 256 : i32
    %dma_wait3A_468 = arith.constant 768 : i32
    %dma_wait3A_469 = arith.constant 0 : i32
    %dma_wait3A_470 = tpu.memref_slice %arg6[%dma_wait3A_468, %dma_wait3A_469] : memref<1024x64xf32, #tpu.memory_space<vmem>> -> memref<256x64xf32, #tpu.memory_space<vmem>>
    %dma_wait3A_471 = arith.constant 0 : i32
    %dma_wait3A_472 = tpu.memref_slice %arg4[%multiple_of3A_467, %dma_wait3A_471] : memref<819200x64xf32, #tpu.memory_space<hbm>> -> memref<256x64xf32, #tpu.memory_space<hbm>>
    %dma_wait3A_473 = arith.constant 0 : i32
    %dma_wait3A_474 = tpu.memref_slice %arg4[%multiple_of3A_467, %dma_wait3A_473] : memref<819200x64xf32, #tpu.memory_space<hbm>> -> memref<256x64xf32, #tpu.memory_space<hbm>>
    %dma_wait3A_475 = arith.constant 768 : i32
    %dma_wait3A_476 = arith.constant 0 : i32
    %dma_wait3A_477 = tpu.memref_slice %arg6[%dma_wait3A_475, %dma_wait3A_476] : memref<1024x64xf32, #tpu.memory_space<vmem>> -> memref<256x64xf32, #tpu.memory_space<vmem>>
    tpu.wait_dma2 semaphore(%arg14 : memref<!tpu.dma_semaphore, #tpu.memory_space<semaphore_mem>>) src(%dma_wait3A_477 : memref<256x64xf32, #tpu.memory_space<vmem>>) dst(%dma_wait3A_474 : memref<256x64xf32, #tpu.memory_space<hbm>>)
    return
  }
}

</mosaic_0001>

<sc_bundles>
// kernel: kernel.3.cloned.1.call-start
scs
__scs_entry_jumppad:
0x0: {  	(pc) =	sbr.rel $0x88, $3  }
0x1: {  	(tag) =	ssettag $0x0;
	lr =	simm.s32 $0x1  }
0x2: {  	[smem:$0x3F9F] =	sst lr;
	_ =	strace $0xD0000000  }
0x3: {  	_ = 	snop  }
0x4: {  	_ = 	snop  }
0x5: {  	_ = 	snop  }
0x6: {  	_ = 	snop  }
0x7: {  	_ = 	snop  }
__scs_overlays_trampoline_lowered:
0x8: {  	[smem:$0x3FAE] =	sst s0  }
0x9: {  	[smem:$0x3FAF] =	sst s1  }
0xa: {  	[smem:$0x3FB0] =	sst s2  }
0xb: {  	[smem:$0x3FB1] =	sst s3  }
0xc: {  	[smem:$0x3FB2] =	sst s4  }
0xd: {  	[smem:$0x3FB3] =	sst s5  }
0xe: {  	[smem:$0x3FB4] =	sst s6  }
0xf: {  	[smem:$0x3FB5] =	sst s7  }
0x10: {  	[smem:$0x3FB6] =	sst s8  }
0x11: {  	[smem:$0x3FB7] =	sst s9;
	s0 =	simm.s32 @!p0 $0x0  }
0x12: {  	s1 =	sld [smem:$0x3F9D];
	s0 =	simm.s32 @p0 $0x1  }
0x13: {  	[smem:$0x3FB8] =	sst s0;
	s0 =	simm.s32 @!p1 $0x0  }
0x14: {  	s2 =	sld [smem:$0x3F9C];
	s0 =	simm.s32 @p1 $0x1  }
0x15: {  	[smem:$0x3FB9] =	sst s0;
	s0 =	simm.s32 @!p2 $0x0  }
0x16: {  	s3 =	sld [smem:$0x3FDB];
	s0 =	simm.s32 @p2 $0x1  }
0x17: {  	s4 =	simm.s32 $0x1BF5;
	[smem:$0x3FBB] =	sst s0  }
0x18: {  	s0 =	sld [smem:$0x3F9E];
	_ =	swait.ge [sflag:s4], $0x0  }
0x19: {  	s7 =	sld [smem:$0x3F9F]  }
0x1a: {  	s8 =	sadd.s32 $0xFFFFE003, lr  }
0x1b: {  	s9 =	sadd.s32 $0xFFFFFEF7, lr;
	s5 =	simm.s32 $0xFFFFFFFF;
	p2 =	slt.u32 s8, $0xFFFFF086  }
0x1c: {  	p1 =	slt.u32 s9, $0xF7A;
	s5 =	simm.s32 @!p2 $0x0  }
0x1d: {  	s5 =	simm.s32 @p1 $0x1;
	p0 =	seq.s32 s7, s2  }
0x1e: {  	s7 =	smul.u32 @!p0 $0xF7A, s2;
	p2 =	seq.s32 @!p0 s5, $0x0  }
0x1f: {  	s9 =	smul.u32 $0xF7A, s1;
	s8 =	simm.s32 @!p0 $0x1BF5;
	p2 =	por !p2, p0  }
0x20: {  	[sflag:s8] =	ssyncset.s32 @!p0 $0xFFFFF086;
	s6 =	sadd.s32 @!p0 s3, s7;
	s7 =	simm.s32 @!p0 $0x108  }
0x21: {  	s3 =	sadd.s32 s3, s9;
	s6 =	sadd.s32 @!p0 $0x88, s6;
	s7 =	simm.s32 @p2 $0x1082  }
0x22: {  	[simem:s7], [sflag:s8] =	dma.local @!p0 [hbm:s6], $0xF7A  }
0x23: {  	s9 =	sor.u32 $0xD0000000, s2;
	s6 =	simm.s32 $0x108;
	_ =	swait.ge @!p0 [sflag:s8], $0x0  }
0x24: {  	s3 =	sadd.s32 $0x88, s3;
	s6 =	simm.s32 @!p1 $0x1082;
	[sflag:s4] =	ssyncset.s32 $0xFFFFF086  }
0x25: {  	[simem:s6], [sflag:s4] =	dma.local [hbm:s3], $0xF7A  }
0x26: {  	[smem:$0x3F9F] =	sst s1;
	(tag) =	ssettag s2;
	_ =	strace s9  }
0x27: {  	s1 =	sld [smem:$0x3FAF]  }
0x28: {  	s2 =	sld [smem:$0x3FB0]  }
0x29: {  	s4 =	sld [smem:$0x3FB2]  }
0x2a: {  	p0 =	seq.s32 s5, $0x0;
	s5 =	sld [smem:$0x3FB3]  }
0x2b: {  	s6 =	sld [smem:$0x3FB4]  }
0x2c: {  	s7 =	sld [smem:$0x3FB5]  }
0x2d: {  	s3 =	simm.s32 $0x108;
	s8 =	sld [smem:$0x3FB6]  }
0x2e: {  	s3 =	simm.s32 @!p0 $0x1082;
	s9 =	sld [smem:$0x3FB7]  }
0x2f: {  	lr =	sadd.s32 s0, s3;
	s0 =	sld [smem:$0x3FAE]  }
0x30: {  	s3 =	sld [smem:$0x3FB1]  }
0x31: {  	[smem:$0x3FBA] =	sst s10  }
0x32: {  	s10 =	sld [smem:$0x3FB8];
	_ =	sdelay $0x3  }
0x33: {  	p0 =	seq.s32 s10, $0x1;
	s10 =	sld [smem:$0x3FBA];
	_ =	sdelay $0x3  }
0x34: {  	[smem:$0x3FBA] =	sst s10  }
0x35: {  	s10 =	sld [smem:$0x3FB9];
	_ =	sdelay $0x3  }
0x36: {  	p1 =	seq.s32 s10, $0x1;
	s10 =	sld [smem:$0x3FBA];
	_ =	sdelay $0x3  }
0x37: {  	[smem:$0x3FBA] =	sst s10  }
0x38: {  	s10 =	sld [smem:$0x3FBB]  }
0x39: {  	_ = 	snop;
	(pc) =	sbr.ind lr, $3  }
0x3a: {  	_ = 	snop  }
0x3b: {  	_ = 	snop  }
0x3c: {  	p2 =	seq.s32 s10, $0x1;
	s10 =	sld [smem:$0x3FBA]  }
0x3d: {  	_ =	shalt  }
0x3e: {  	_ =	shalt  }
0x3f: {  	_ =	shalt  }
0x40: {  	_ =	shalt  }
0x41: {  	_ =	shalt  }
0x42: {  	_ =	shalt  }
0x43: {  	_ =	shalt  }
0x44: {  	_ =	shalt  }
0x45: {  	_ =	shalt  }
0x46: {  	_ =	shalt  }
0x47: {  	_ =	shalt  }
0x48: {  	_ =	shalt  }
0x49: {  	_ =	shalt  }
0x4a: {  	_ =	shalt  }
0x4b: {  	_ =	shalt  }
0x4c: {  	_ =	shalt  }
0x4d: {  	_ =	shalt  }
0x4e: {  	_ =	shalt  }
0x4f: {  	_ =	shalt  }
0x50: {  	_ =	shalt  }
0x51: {  	_ =	shalt  }
0x52: {  	_ =	shalt  }
0x53: {  	_ =	shalt  }
0x54: {  	_ =	shalt  }
0x55: {  	_ =	shalt  }
0x56: {  	_ =	shalt  }
0x57: {  	_ =	shalt  }
0x58: {  	_ =	shalt  }
0x59: {  	_ =	shalt  }
0x5a: {  	_ =	shalt  }
0x5b: {  	_ =	shalt  }
0x5c: {  	_ =	shalt  }
0x5d: {  	_ =	shalt  }
0x5e: {  	_ =	shalt  }
0x5f: {  	_ =	shalt  }
0x60: {  	_ =	shalt  }
0x61: {  	_ =	shalt  }
0x62: {  	_ =	shalt  }
0x63: {  	_ =	shalt  }
0x64: {  	_ =	shalt  }
0x65: {  	_ =	shalt  }
0x66: {  	_ =	shalt  }
0x67: {  	_ =	shalt  }
0x68: {  	_ =	shalt  }
0x69: {  	_ =	shalt  }
0x6a: {  	_ =	shalt  }
0x6b: {  	_ =	shalt  }
0x6c: {  	_ =	shalt  }
0x6d: {  	_ =	shalt  }
0x6e: {  	_ =	shalt  }
0x6f: {  	_ =	shalt  }
0x70: {  	_ =	shalt  }
0x71: {  	_ =	shalt  }
0x72: {  	_ =	shalt  }
0x73: {  	_ =	shalt  }
0x74: {  	_ =	shalt  }
0x75: {  	_ =	shalt  }
0x76: {  	_ =	shalt  }
0x77: {  	_ =	shalt  }
0x78: {  	_ =	shalt  }
0x79: {  	_ =	shalt  }
0x7a: {  	_ =	shalt  }
0x7b: {  	_ =	shalt  }
0x7c: {  	_ =	shalt  }
0x7d: {  	_ =	shalt  }
0x7e: {  	_ =	shalt  }
0x7f: {  	_ =	shalt  }
0x80: {  	_ =	shalt  }
0x81: {  	_ =	shalt  }
0x82: {  	_ =	shalt  }
0x83: {  	_ =	shalt  }
0x84: {  	_ =	shalt  }
0x85: {  	_ =	shalt  }
0x86: {  	_ =	shalt  }
0x87: {  	_ =	shalt  }
.Lfunc_end0:
.L_simem_size_0:
called_computation.1_lowered:
.L_overlay_start_0:
0x88: {  	s2 =	sld [smem:$0x3FD9]  }
0x89: {  	s3 =	sld [smem:$0x3FFE];
	_ =	sdelay $0x1  }
0x8a: {  	s1 =	srdreg.scid  }
0x8b: {  	s0 =	sand.u32 $0x1, s1  }
0x8c: {  	s17 =	sshll.u32 s0, $0xA;
	s2 =	sadd.s32 s3, s2  }
0x8d: {  	s2 =	sadd.s32 s2, s17  }
0x8e: {  	[smem:$0x3FC6] =	sst s2  }
0x8f: {  	_ = 	snop  }
0x90: {  	s2 =	sld [smem:$0x3FD0];
	(tm) =	ssettm $0x1  }
0x91: {  	s18 =	sld [smem:$0x3FFB];
	_ =	sdelay $0x3  }
0x92: {  	_ =	strace s18  }
0x93: {  	s3 =	sld [smem:$0x3FFC];
	_ =	sdelay $0x3  }
0x94: {  	_ =	strace s3  }
0x95: {  	s3 =	sld [smem:$0x3FFD];
	_ =	sdelay $0x3  }
0x96: {  	_ =	strace s3  }
0x97: {  	_ =	strace $0x8FFFFFFF  }
0x98: {  	s19 =	sld [smem:$0x3FDB];
	_ =	sdelay $0x1  }
0x99: {  	s4 =	simm.s32 $_scs_section_size  }
0x9a: {  	s5 =	simm.s32 $_size__tile_overlayer_lowered;
	s6 =	simm.s32 $_tile_overlayer_lowered  }
0x9b: {  	s22 =	simm.s32 $0x1BFF;
	s21 =	sshll.u32 s6, $0x1;
	s3 =	sadd.s32 s4, s19  }
0x9c: {  	s7 =	simm.s32 $0x0;
	s20 =	sshll.u32 s5, $0x1;
	s5 =	sadd.s32 s21, s3  }
0x9d: {  	[timem:s7], [sflag:s22] =	dma.local [hbm:s5], s20  }
0x9e: {  	_ =	swait.ge [sflag:s22], s20  }
0x9f: {  	s4 =	ssub.s32 $0x0, s20;
	[sflag:s22] =	ssyncset.done $0x0  }
0xa0: {  	[sflag:s22] =	ssyncadd.s32 s4;
	_ =	sdelay $0x1  }
0xa1: {  	s23 =	simm.s32 $0x1B8B  }
0xa2: {  	_ =	swait.ge [sflag:s23], $0x1  }
0xa3: {  	[sflag:s23] =	ssyncset.done $0x0  }
0xa4: {  	s25 =	simm.s32 $0x1B8E;
	s24 =	sld [smem:$0x3FFE];
	[sflag:s23] =	ssyncadd.s32 $0xFFFFFFFF  }
0xa5: {  	s26 =	simm.s32 $execute0_lowered;
	[smem:$0x3FD2] =	sst s25  }
0xa6: {  	s5 =	sshll.u32 s26, $0x1;
	_ =	strace $0x80000046;
	[dreg:$0x1] =	wrdreg $0xFFFFFFFF  }
0xa7: {  	s28 =	simm.s32 $_size_execute0_lowered;
	s3 =	sadd.s32 s3, s5;
	[dreg:$0x0] =	wrdreg $0x0  }
0xa8: {  	s5 =	sshll.u32 s28, $0x1;
	[dreg:$0x2] =	wrdreg s3  }
0xa9: {  	[dreg:$0x3] =	wrdreg s5  }
0xaa: {  	[dreg:$0x4] =	wrdreg $0xC0  }
0xab: {  	_ =	task [dreg:s7], $0x5FFFF  }
0xac: {  	[dreg:$0x1] =	wrdreg $0xFFFFFFFF  }
0xad: {  	[dreg:$0x0] =	wrdreg $0x60  }
0xae: {  	[dreg:$0x2] =	wrdreg s24  }
0xaf: {  	[dreg:$0x3] =	wrdreg s2  }
0xb0: {  	[dreg:$0x4] =	wrdreg $0x9  }
0xb1: {  	_ =	task.clear_ibuf [dreg:s7], $0x5FFFF;
	_ =	strace $0x90000046  }
0xb2: {  	s29 =	simm.s32 $0x9;
	_ =	strace $0x80000048  }
0xb3: {  	_ =	swait.ge [sflag:s29], $0x1  }
0xb4: {  	[sflag:s29] =	ssyncadd.s32 $0xFFFFFFFF  }
0xb5: {  	_ =	strace $0x90000048  }
0xb6: {  	_ =	sfence  }
0xb7: {  	s30 =	sld [smem:$0x0];
	_ =	sdelay $0x2  }
0xb8: {  	s31 =	sshll.u32 s1, $0xD;
	s1 =	sshrl.u32 s1, $0x2  }
0xb9: {  	s3 =	sand.u32 $0x4000, s31;
	s1 =	sadd.s32 s1, s30  }
0xba: {  	s0 =	sor.u32 s3, s0;
	s1 =	sshll.u32 s1, $0x11  }
0xbb: {  	s0 =	sor.u32 s1, s0  }
0xbc: {  	s0 =	sadd.s32 $0x8F2B, s0  }
0xbd: {  	[sflag:s0] =	ssyncadd.remote.s32 $0x1  }
0xbe: {  	_ =	sfence.sel $0xFFFF  }
0xbf: {  	[dreg:$0x0] =	wrdreg $0xFFFFFFFF;
	(pc) =	sbr.abs _section_cstart, $3  }
0xc0: {  	[dreg:$0x1] =	wrdreg $0xFFFFFFFF  }
0xc1: {  	_ =	task.clear_ibuf [dreg:s7], $0x2FFFF;
	_ =	strace $0x9FFFFFFF  }
0xc2: {  	(tm) =	ssettm $0x7FFFFFFF  }
0xc3: {  	_ =	shalt  }
tec
execute0_lowered:
.L_overlay_start_1:
0x0: {  	(tag) =	ssettag $0x1  }
0x1: {  	s0 =	rddreg [dreg:$0x0]  }
0x2: {  	s1 =	srdreg.scid;
	s9 =	stileid.u32  }
0x3: {  	s2 =	rddreg [dreg:$0x1];
	s3 =	simm.s32 $0x0;
	s29 =	simm.s32 $0xE400  }
0x4: {  	s31 =	simm.s32 $0x10400;
	s28 =	simm.s32 $0x14400;
	s13 =	smul.u32 $0x64000, s9  }
0x5: {  	s30 =	simm.s32 $0x2;
	s1 =	sand.u32 $0x1, s1;
	s14 =	smul.u32 $0x320000, s9  }
0x6: {  	s4 =	sshll.u32 s9, $0x1;
	[smem:$0x7FF] =	sst s3;
	s17 =	smul.u32 $0x190000, s1  }
0x7: {  	s5 =	sor.u32 s1, s4;
	_ =	strace $0x80000047;
	s19 =	smul.u32 $0x32000, s1  }
0x8: {  	s9 =	simm.s32 $0x8;
	s4 =	sadd.s32 $0xF42E00, s0;
	s6 =	smul.u32 $0xC80, s5  }
0x9: {  	s26 =	ssub.s32 $0x2, s1;
	s1 =	simm.s32 $0x1;
	s7 =	smul.u32 $0x32000, s5  }
0xa: {  	s8 =	sshrl.u32 s26, $0x1;
	s5 =	smul.u32 $0x190000, s5;
	s21 =	sadd.s32 s13, s2  }
0xb: {  	s22 =	sadd.s32 s17, s14;
	s0 =	sadd.s32 s6, s0;
	s7 =	sadd.s32 s2, s7  }
0xc: {  	s6 =	ssub.s32 s26, s8;
	s12 =	sshrl.u32 s5, $0x3;
	s23 =	sadd.s32 $0x1C000, s22  }
0xd: {  	s24 =	sadd.s32 $0x18000, s22;
	s5 =	sadd.s32 $0x10000, s22;
	[dreg:$0x3] =	wrdreg s7  }
0xe: {  	s22 =	simm.s32 $0x8400;
	s0 =	sadd.s32 $0xA00, s0;
	[dreg:$0xe] =	wrdreg s5  }
0xf: {  	s8 =	simm.s32 $0x7;
	s10 =	sadd.s32 $0x800, s7;
	[dreg:$0x4] =	wrdreg s0  }
0x10: {  	s11 =	sadd.s32 $0x1000, s7;
	s7 =	sadd.s32 $0x1800, s7;
	[dreg:$0x5] =	wrdreg s10  }
0x11: {  	s20 =	smax.u32 s6, $0x1;
	s25 =	sshrl.u32 s23, $0x3;
	[dreg:$0x6] =	wrdreg s11  }
0x12: {  	s26 =	sshrl.u32 s24, $0x3;
	[dreg:$0x7] =	wrdreg s7;
	s0 =	sadd.s32 s2, s12  }
0x13: {  	s24 =	simm.s32 $0xA400;
	[dreg:$0xc] =	wrdreg s20;
	s15 =	sadd.s32 $0x30000, s0  }
0x14: {  	s23 =	simm.s32 $0x12400;
	s16 =	sadd.s32 $0x30800, s0;
	[dreg:$0x8] =	wrdreg s15  }
0x15: {  	s6 =	simm.s32 $0x6;
	s18 =	sadd.s32 $0x31000, s0;
	[dreg:$0x9] =	wrdreg s16  }
0x16: {  	s20 =	simm.s32 $0x80;
	s0 =	sadd.s32 $0x31800, s0;
	[dreg:$0xa] =	wrdreg s18  }
0x17: {  	s7 =	simm.s32 $0x4;
	s10 =	simm.s32 $0x0;
	[dreg:$0xb] =	wrdreg s0  }
0x18: {  	s0 =	sadd.s32 s19, s21;
	s19 =	sadd.s32 s25, s2;
	s18 =	sadd.s32 s26, s2  }
0x19: {  	s21 =	simm.s32 $0x6400;
	s26 =	simm.s32 $0xC400;
	s0 =	sadd.s32 $0x2800, s0  }
0x1a: {  	s25 =	simm.s32 $0x3;
	[dreg:$0xd] =	wrdreg s0;
	s0 =	simm.s32 $0x5  }
.LBB2_1:
0x1b: {  	s5 =	rddreg [dreg:$0x4];
	s13 =	simm.s32 $0x9  }
0x1c: {  	[tilespmem:s3], [sflag:$0x9] =	stream.linear.gather [hbm4b:s5+s3], $0x6400, $0x38;
	[tilespmem:$0x16400] =	vst v63  }
0x1d: {  	_ =	swait.ge [sflag:s13], $0x6400  }
0x1e: {  	[sflag:s13] =	ssyncset.done $0x0  }
0x1f: {  	[sflag:s13] =	ssyncadd.s32 $0xFFFF9C00  }
0x20: {  	[tilespmem:s21], [sflag:$0x1] =	stream.indirect.gather [hbm4b:s4+s20], $0x40, s3, s20, $0xb8;
	[tilespmem:$0x16400] =	vst v63  }
0x21: {  	_ = 	snop  }
0x22: {  	[tilespmem:s22], [sflag:$0x1] =	stream.indirect.gather [hbm4b:s4+s20], $0x40, s20, s20, $0xb8;
	[tilespmem:$0x16400] =	vst v63  }
0x23: {  	s14 =	simm.s32 $0x100  }
0x24: {  	[tilespmem:s24], [sflag:$0x2] =	stream.indirect.gather [hbm4b:s4+s20], $0x40, s14, s20, $0xb8;
	[tilespmem:$0x16400] =	vst v63  }
0x25: {  	s15 =	simm.s32 $0x180  }
0x26: {  	[tilespmem:s26], [sflag:$0x2] =	stream.indirect.gather [hbm4b:s4+s20], $0x40, s15, s20, $0xb8;
	[tilespmem:$0x16400] =	vst v63  }
0x27: {  	s16 =	simm.s32 $0x200  }
0x28: {  	[tilespmem:s29], [sflag:$0x3] =	stream.indirect.gather [hbm4b:s4+s20], $0x40, s16, s20, $0xb8;
	[tilespmem:$0x16400] =	vst v63  }
0x29: {  	s17 =	simm.s32 $0x280  }
0x2a: {  	[tilespmem:s31], [sflag:$0x3] =	stream.indirect.gather [hbm4b:s4+s20], $0x40, s17, s20, $0xb8;
	[tilespmem:$0x16400] =	vst v63  }
0x2b: {  	_ =	swait.ge [sflag:s1], $0x4000  }
0x2c: {  	[sflag:s1] =	ssyncset.done $0x0  }
0x2d: {  	s11 =	rddreg [dreg:$0x3];
	[sflag:s1] =	ssyncadd.s32 $0xFFFFC000  }
0x2e: {  	[hbm4b:s11+s3] =	stream.linear.scatter [tilespmem:s21], [sflag:$0x5], $0x4000, $0x38;
	[tilespmem:$0x16400] =	vst v63  }
0x2f: {  	s12 =	simm.s32 $0x300  }
0x30: {  	[tilespmem:s23], [sflag:$0x4] =	stream.indirect.gather [hbm4b:s4+s20], $0x40, s12, s20, $0xb8;
	[tilespmem:$0x16400] =	vst v63  }
0x31: {  	s13 =	simm.s32 $0x380  }
0x32: {  	[tilespmem:s28], [sflag:$0x4] =	stream.indirect.gather [hbm4b:s4+s20], $0x40, s13, s20, $0xb8;
	[tilespmem:$0x16400] =	vst v63  }
0x33: {  	_ =	swait.ge [sflag:s30], $0x4000  }
0x34: {  	[sflag:s30] =	ssyncset.done $0x0  }
0x35: {  	s14 =	rddreg [dreg:$0x5];
	[sflag:s30] =	ssyncadd.s32 $0xFFFFC000  }
0x36: {  	[hbm4b:s14+s3] =	stream.linear.scatter [tilespmem:s24], [sflag:$0x6], $0x4000, $0x38;
	[tilespmem:$0x16400] =	vst v63  }
0x37: {  	_ =	swait.ge [sflag:s0], $0x4000  }
0x38: {  	[sflag:s0] =	ssyncset.done $0x0  }
0x39: {  	s15 =	simm.s32 $0x400;
	[sflag:s0] =	ssyncadd.s32 $0xFFFFC000  }
0x3a: {  	[tilespmem:s21], [sflag:$0x1] =	stream.indirect.gather [hbm4b:s4+s20], $0x40, s15, s20, $0xb8;
	[tilespmem:$0x16400] =	vst v63  }
0x3b: {  	s16 =	simm.s32 $0x480  }
0x3c: {  	[tilespmem:s22], [sflag:$0x1] =	stream.indirect.gather [hbm4b:s4+s20], $0x40, s16, s20, $0xb8;
	[tilespmem:$0x16400] =	vst v63  }
0x3d: {  	_ =	swait.ge [sflag:s25], $0x4000  }
0x3e: {  	[sflag:s25] =	ssyncset.done $0x0  }
0x3f: {  	s17 =	rddreg [dreg:$0x6];
	[sflag:s25] =	ssyncadd.s32 $0xFFFFC000  }
0x40: {  	[hbm4b:s17+s3] =	stream.linear.scatter [tilespmem:s29], [sflag:$0x7], $0x4000, $0x38;
	[tilespmem:$0x16400] =	vst v63  }
0x41: {  	_ =	swait.ge [sflag:s6], $0x4000  }
0x42: {  	[sflag:s6] =	ssyncset.done $0x0  }
0x43: {  	s11 =	simm.s32 $0x500;
	[sflag:s6] =	ssyncadd.s32 $0xFFFFC000  }
0x44: {  	[tilespmem:s24], [sflag:$0x2] =	stream.indirect.gather [hbm4b:s4+s20], $0x40, s11, s20, $0xb8;
	[tilespmem:$0x16400] =	vst v63  }
0x45: {  	s12 =	simm.s32 $0x580  }
0x46: {  	[tilespmem:s26], [sflag:$0x2] =	stream.indirect.gather [hbm4b:s4+s20], $0x40, s12, s20, $0xb8;
	[tilespmem:$0x16400] =	vst v63  }
0x47: {  	_ =	swait.ge [sflag:s7], $0x4000  }
0x48: {  	[sflag:s7] =	ssyncset.done $0x0  }
0x49: {  	s13 =	rddreg [dreg:$0x7];
	[sflag:s7] =	ssyncadd.s32 $0xFFFFC000  }
0x4a: {  	[hbm4b:s13+s3] =	stream.linear.scatter [tilespmem:s23], [sflag:$0x8], $0x4000, $0x38;
	[tilespmem:$0x16400] =	vst v63  }
0x4b: {  	_ =	swait.ge [sflag:s8], $0x4000  }
0x4c: {  	[sflag:s8] =	ssyncset.done $0x0  }
0x4d: {  	s14 =	simm.s32 $0x600;
	[sflag:s8] =	ssyncadd.s32 $0xFFFFC000  }
0x4e: {  	[tilespmem:s29], [sflag:$0x3] =	stream.indirect.gather [hbm4b:s4+s20], $0x40, s14, s20, $0xb8;
	[tilespmem:$0x16400] =	vst v63  }
0x4f: {  	s15 =	simm.s32 $0x680  }
0x50: {  	[tilespmem:s31], [sflag:$0x3] =	stream.indirect.gather [hbm4b:s4+s20], $0x40, s15, s20, $0xb8;
	[tilespmem:$0x16400] =	vst v63  }
0x51: {  	_ =	swait.ge [sflag:s1], $0x4000  }
0x52: {  	s15 =	rddreg [dreg:$0xe]  }
0x53: {  	[sflag:s1] =	ssyncset.done $0x0;
	s16 =	sshrl.u32 s15, $0x3  }
0x54: {  	[sflag:s1] =	ssyncadd.s32 $0xFFFFC000;
	s5 =	sadd.s32 s2, s16  }
0x55: {  	[hbm4b:s5+s3] =	stream.linear.scatter [tilespmem:s21], [sflag:$0x5], $0x4000, $0x38;
	[tilespmem:$0x16400] =	vst v63  }
0x56: {  	_ =	swait.ge [sflag:s9], $0x4000  }
0x57: {  	[sflag:s9] =	ssyncset.done $0x0  }
0x58: {  	s17 =	simm.s32 $0x700;
	[sflag:s9] =	ssyncadd.s32 $0xFFFFC000  }
0x59: {  	[tilespmem:s23], [sflag:$0x4] =	stream.indirect.gather [hbm4b:s4+s20], $0x40, s17, s20, $0xb8;
	[tilespmem:$0x16400] =	vst v63  }
0x5a: {  	s11 =	simm.s32 $0x780  }
0x5b: {  	[tilespmem:s28], [sflag:$0x4] =	stream.indirect.gather [hbm4b:s4+s20], $0x40, s11, s20, $0xb8;
	[tilespmem:$0x16400] =	vst v63  }
0x5c: {  	_ =	swait.ge [sflag:s30], $0x4000  }
0x5d: {  	[sflag:s30] =	ssyncset.done $0x0  }
0x5e: {  	s14 =	rddreg [dreg:$0xd];
	[sflag:s30] =	ssyncadd.s32 $0xFFFFC000  }
0x5f: {  	[hbm4b:s14+s3] =	stream.linear.scatter [tilespmem:s24], [sflag:$0x6], $0x4000, $0x38;
	[tilespmem:$0x16400] =	vst v63  }
0x60: {  	_ =	swait.ge [sflag:s0], $0x4000  }
0x61: {  	[sflag:s0] =	ssyncset.done $0x0  }
0x62: {  	s12 =	simm.s32 $0x800;
	[sflag:s0] =	ssyncadd.s32 $0xFFFFC000  }
0x63: {  	[tilespmem:s21], [sflag:$0x1] =	stream.indirect.gather [hbm4b:s4+s20], $0x40, s12, s20, $0xb8;
	[tilespmem:$0x16400] =	vst v63  }
0x64: {  	s13 =	simm.s32 $0x880  }
0x65: {  	[tilespmem:s22], [sflag:$0x1] =	stream.indirect.gather [hbm4b:s4+s20], $0x40, s13, s20, $0xb8;
	[tilespmem:$0x16400] =	vst v63  }
0x66: {  	_ =	swait.ge [sflag:s25], $0x4000  }
0x67: {  	[sflag:s25] =	ssyncset.done $0x0  }
0x68: {  	[sflag:s25] =	ssyncadd.s32 $0xFFFFC000  }
0x69: {  	[hbm4b:s18+s3] =	stream.linear.scatter [tilespmem:s29], [sflag:$0x7], $0x4000, $0x38;
	[tilespmem:$0x16400] =	vst v63  }
0x6a: {  	_ =	swait.ge [sflag:s6], $0x4000  }
0x6b: {  	[sflag:s6] =	ssyncset.done $0x0  }
0x6c: {  	s16 =	simm.s32 $0x900;
	[sflag:s6] =	ssyncadd.s32 $0xFFFFC000  }
0x6d: {  	[tilespmem:s24], [sflag:$0x2] =	stream.indirect.gather [hbm4b:s4+s20], $0x40, s16, s20, $0xb8;
	[tilespmem:$0x16400] =	vst v63  }
0x6e: {  	s17 =	simm.s32 $0x980  }
0x6f: {  	[tilespmem:s26], [sflag:$0x2] =	stream.indirect.gather [hbm4b:s4+s20], $0x40, s17, s20, $0xb8;
	[tilespmem:$0x16400] =	vst v63  }
0x70: {  	s5 =	sadd.s32 $0x10000, s15;
	s11 =	simm.s32 $0x1000;
	_ =	swait.ge [sflag:s7], $0x4000  }
0x71: {  	s14 =	sadd.s32 $0x2000, s14;
	s12 =	sadd.s32 $0x2000, s19;
	[sflag:s7] =	ssyncset.done $0x0  }
0x72: {  	s13 =	sadd.s32 $0x2000, s18;
	s17 =	smov.u32 s19;
	[sflag:s7] =	ssyncadd.s32 $0xFFFFC000  }
.LBB2_2:
0x73: {  	[hbm4b:s17+s3] =	stream.linear.scatter [tilespmem:s23], [sflag:$0x8], $0x4000, $0x38;
	[tilespmem:$0x16400] =	vst v63  }
0x74: {  	s15 =	smov.u32 s11;
	s17 =	smov.u32 s12  }
0x75: {  	p0 =	sne.s32 s11, $0x16000;
	s11 =	sadd.s32 $0x1000, s11;
	_ =	swait.ge [sflag:s8], $0x4000  }
0x76: {  	s15 =	sshra.s32 s15, $0x2;
	[sflag:s8] =	ssyncset.done $0x0  }
0x77: {  	s16 =	sadd.s32 $0x600, s15;
	[sflag:s8] =	ssyncadd.s32 $0xFFFFC000  }
0x78: {  	[tilespmem:s29], [sflag:$0x3] =	stream.indirect.gather [hbm4b:s4+s20], $0x40, s16, s20, $0xb8;
	[tilespmem:$0x16400] =	vst v63  }
0x79: {  	s16 =	sadd.s32 $0x680, s15  }
0x7a: {  	[tilespmem:s31], [sflag:$0x3] =	stream.indirect.gather [hbm4b:s4+s20], $0x40, s16, s20, $0xb8;
	[tilespmem:$0x16400] =	vst v63  }
0x7b: {  	_ =	swait.ge [sflag:s1], $0x4000  }
0x7c: {  	s16 =	sshrl.u32 s5, $0x3;
	[sflag:s1] =	ssyncset.done $0x0  }
0x7d: {  	s16 =	sadd.s32 s2, s16;
	[sflag:s1] =	ssyncadd.s32 $0xFFFFC000  }
0x7e: {  	[hbm4b:s16+s3] =	stream.linear.scatter [tilespmem:s21], [sflag:$0x5], $0x4000, $0x38;
	[tilespmem:$0x16400] =	vst v63  }
0x7f: {  	_ =	swait.ge [sflag:s9], $0x4000  }
0x80: {  	[sflag:s9] =	ssyncset.done $0x0  }
0x81: {  	s16 =	sadd.s32 $0x700, s15;
	[sflag:s9] =	ssyncadd.s32 $0xFFFFC000  }
0x82: {  	[tilespmem:s23], [sflag:$0x4] =	stream.indirect.gather [hbm4b:s4+s20], $0x40, s16, s20, $0xb8;
	[tilespmem:$0x16400] =	vst v63  }
0x83: {  	s16 =	sadd.s32 $0x780, s15  }
0x84: {  	[tilespmem:s28], [sflag:$0x4] =	stream.indirect.gather [hbm4b:s4+s20], $0x40, s16, s20, $0xb8;
	[tilespmem:$0x16400] =	vst v63  }
0x85: {  	_ =	swait.ge [sflag:s30], $0x4000  }
0x86: {  	[sflag:s30] =	ssyncset.done $0x0  }
0x87: {  	[sflag:s30] =	ssyncadd.s32 $0xFFFFC000  }
0x88: {  	[hbm4b:s14+s3] =	stream.linear.scatter [tilespmem:s24], [sflag:$0x6], $0x4000, $0x38;
	[tilespmem:$0x16400] =	vst v63  }
0x89: {  	_ =	swait.ge [sflag:s0], $0x4000  }
0x8a: {  	[sflag:s0] =	ssyncset.done $0x0  }
0x8b: {  	s16 =	sadd.s32 $0x800, s15;
	[sflag:s0] =	ssyncadd.s32 $0xFFFFC000  }
0x8c: {  	[tilespmem:s21], [sflag:$0x1] =	stream.indirect.gather [hbm4b:s4+s20], $0x40, s16, s20, $0xb8;
	[tilespmem:$0x16400] =	vst v63  }
0x8d: {  	s16 =	sadd.s32 $0x880, s15  }
0x8e: {  	[tilespmem:s22], [sflag:$0x1] =	stream.indirect.gather [hbm4b:s4+s20], $0x40, s16, s20, $0xb8;
	[tilespmem:$0x16400] =	vst v63  }
0x8f: {  	_ =	swait.ge [sflag:s25], $0x4000  }
0x90: {  	[sflag:s25] =	ssyncset.done $0x0  }
0x91: {  	[sflag:s25] =	ssyncadd.s32 $0xFFFFC000  }
0x92: {  	[hbm4b:s13+s3] =	stream.linear.scatter [tilespmem:s29], [sflag:$0x7], $0x4000, $0x38;
	[tilespmem:$0x16400] =	vst v63  }
0x93: {  	_ =	swait.ge [sflag:s6], $0x4000  }
0x94: {  	[sflag:s6] =	ssyncset.done $0x0  }
0x95: {  	s16 =	sadd.s32 $0x900, s15;
	[sflag:s6] =	ssyncadd.s32 $0xFFFFC000  }
0x96: {  	[tilespmem:s24], [sflag:$0x2] =	stream.indirect.gather [hbm4b:s4+s20], $0x40, s16, s20, $0xb8;
	[tilespmem:$0x16400] =	vst v63  }
.Ltmp0:
0x97: {  	s15 =	sadd.s32 $0x980, s15;
	(pc) =	sbr.rel @p0 .LBB2_2-.Ltmp0, $4  }
0x98: {  	[tilespmem:s26], [sflag:$0x2] =	stream.indirect.gather [hbm4b:s4+s20], $0x40, s15, s20, $0xb8;
	[tilespmem:$0x16400] =	vst v63  }
0x99: {  	_ =	swait.ge [sflag:s7], $0x4000  }
0x9a: {  	s12 =	sadd.s32 $0x2000, s12;
	s13 =	sadd.s32 $0x2000, s13;
	[sflag:s7] =	ssyncset.done $0x0  }
0x9b: {  	s5 =	sadd.s32 $0x10000, s5;
	s14 =	sadd.s32 $0x2000, s14;
	[sflag:s7] =	ssyncadd.s32 $0xFFFFC000  }
0x9c: {  	[hbm4b:s17+s3] =	stream.linear.scatter [tilespmem:s23], [sflag:$0x8], $0x4000, $0x38;
	[tilespmem:$0x16400] =	vst v63  }
0x9d: {  	_ =	swait.ge [sflag:s8], $0x4000  }
0x9e: {  	[sflag:s8] =	ssyncset.done $0x0  }
0x9f: {  	s5 =	simm.s32 $0x6200;
	[sflag:s8] =	ssyncadd.s32 $0xFFFFC000  }
0xa0: {  	[tilespmem:s29], [sflag:$0x3] =	stream.indirect.gather [hbm4b:s4+s20], $0x40, s5, s20, $0xb8;
	[tilespmem:$0x16400] =	vst v63  }
0xa1: {  	s17 =	simm.s32 $0x6280  }
0xa2: {  	[tilespmem:s31], [sflag:$0x3] =	stream.indirect.gather [hbm4b:s4+s20], $0x40, s17, s20, $0xb8;
	[tilespmem:$0x16400] =	vst v63  }
0xa3: {  	_ =	swait.ge [sflag:s1], $0x4000  }
0xa4: {  	[sflag:s1] =	ssyncset.done $0x0  }
0xa5: {  	s11 =	rddreg [dreg:$0x8];
	[sflag:s1] =	ssyncadd.s32 $0xFFFFC000  }
0xa6: {  	[hbm4b:s11+s3] =	stream.linear.scatter [tilespmem:s21], [sflag:$0x5], $0x4000, $0x38;
	[tilespmem:$0x16400] =	vst v63  }
0xa7: {  	_ =	swait.ge [sflag:s9], $0x4000  }
0xa8: {  	[sflag:s9] =	ssyncset.done $0x0  }
0xa9: {  	s12 =	simm.s32 $0x6300;
	[sflag:s9] =	ssyncadd.s32 $0xFFFFC000  }
0xaa: {  	[tilespmem:s23], [sflag:$0x4] =	stream.indirect.gather [hbm4b:s4+s20], $0x40, s12, s20, $0xb8;
	[tilespmem:$0x16400] =	vst v63  }
0xab: {  	s13 =	simm.s32 $0x6380  }
0xac: {  	[tilespmem:s28], [sflag:$0x4] =	stream.indirect.gather [hbm4b:s4+s20], $0x40, s13, s20, $0xb8;
	[tilespmem:$0x16400] =	vst v63  }
0xad: {  	_ =	swait.ge [sflag:s30], $0x4000  }
0xae: {  	[sflag:s30] =	ssyncset.done $0x0  }
0xaf: {  	s14 =	rddreg [dreg:$0x9];
	[sflag:s30] =	ssyncadd.s32 $0xFFFFC000  }
0xb0: {  	[hbm4b:s14+s3] =	stream.linear.scatter [tilespmem:s24], [sflag:$0x6], $0x4000, $0x38;
	[tilespmem:$0x16400] =	vst v63  }
0xb1: {  	_ =	swait.ge [sflag:s25], $0x4000  }
0xb2: {  	[sflag:s25] =	ssyncset.done $0x0  }
0xb3: {  	s15 =	rddreg [dreg:$0xa];
	[sflag:s25] =	ssyncadd.s32 $0xFFFFC000  }
0xb4: {  	[hbm4b:s15+s3] =	stream.linear.scatter [tilespmem:s29], [sflag:$0x7], $0x4000, $0x38;
	[tilespmem:$0x16400] =	vst v63  }
0xb5: {  	_ =	swait.ge [sflag:s7], $0x4000  }
0xb6: {  	[sflag:s7] =	ssyncset.done $0x0  }
0xb7: {  	s16 =	rddreg [dreg:$0xb];
	[sflag:s7] =	ssyncadd.s32 $0xFFFFC000  }
0xb8: {  	[hbm4b:s16+s3] =	stream.linear.scatter [tilespmem:s23], [sflag:$0x8], $0x4000, $0x38;
	[tilespmem:$0x16400] =	vst v63  }
0xb9: {  	_ =	swait.ge [sflag:s0], $0x4000  }
0xba: {  	[sflag:s0] =	ssyncset.done $0x0  }
0xbb: {  	[sflag:s0] =	ssyncadd.s32 $0xFFFFC000  }
0xbc: {  	_ =	swait.ge [sflag:s6], $0x4000  }
0xbd: {  	[sflag:s6] =	ssyncset.done $0x0  }
0xbe: {  	[sflag:s6] =	ssyncadd.s32 $0xFFFFC000  }
0xbf: {  	_ =	swait.ge [sflag:s8], $0x4000  }
0xc0: {  	[sflag:s8] =	ssyncset.done $0x0  }
0xc1: {  	[sflag:s8] =	ssyncadd.s32 $0xFFFFC000  }
0xc2: {  	_ =	swait.ge [sflag:s9], $0x4000  }
0xc3: {  	s10 =	sadd.s32 $0x1, s10;
	s17 =	rddreg [dreg:$0xc]  }
0xc4: {  	p0 =	sne.s32 s10, s17  }
.Ltmp1:
0xc5: {  	_ = 	snop;
	(pc) =	sbr.rel @p0 .LBB2_1-.Ltmp1, $3  }
0xc6: {  	_ =	sdelay $0x1  }
0xc7: {  	[sflag:s9] =	ssyncset.done $0x0  }
0xc8: {  	[sflag:s9] =	ssyncadd.s32 $0xFFFFC000  }
0xc9: {  	_ =	sfence.sel $0x180000  }
0xca: {  	[bflag:$0x0] =	sbarrier.arrive $0xFFFF  }
0xcb: {  	_ =	strace $0x90000047  }
0xcc: {  	s0 =	stileid.u32;
	[bflag:$0x2] =	sbarrier.arrive $0xFFFF  }
0xcd: {  	p0 =	sne.s32 s0, $0x0;
	s0 =	rddreg [dreg:$0x2]  }
0xce: {  	s0 =	sadd.s32 @!p0 $0x100000, s0  }
0xcf: {  	[sflag:s0] =	ssyncadd.tile.s32 @!p0 $0x1;
	_ =	shalt  }
.Lfunc_end2:
_tile_overlayer_lowered:
.L_overlay_start_2:
0xd0: {  	(tag) =	ssettag $0x2  }
0xd1: {  	s0 =	rddreg [dreg:$0x0];
	s2 =	stileid.u32  }
0xd2: {  	s1 =	rddreg [dreg:$0x1];
	p0 =	sne.s32 s2, $0x0  }
0xd3: {  	s3 =	rddreg [dreg:$0x2];
	[bflag:$0x3] =	sbarrier.arrive $0xFFFF;
	s2 =	simm.s32 @!p0 $0x1C09  }
0xd4: {  	[timem:s3], [sflag:s2] =	dma.local @!p0 [hbm:s0], s1  }
0xd5: {  	s0 =	simm.s32 @!p0 $0x9  }
0xd6: {  	_ =	swait.ge @!p0 [sflag:s0], s1  }
0xd7: {  	s1 =	ssub.s32 @!p0 $0x0, s1;
	[sflag:s0] =	ssyncset.done @!p0 $0x0  }
0xd8: {  	[sflag:s0] =	ssyncadd.s32 @!p0 s1  }
0xd9: {  	[bflag:$0x3] =	sbarrier.arrive $0xFFFF  }
0xda: {  	_ =	shalt  }

// kernel: sparse-core-data-format-call.cloned.1.call-start
scs
called_computation_lowered:
.L_overlay_start_0:
0x0: {  	s2 =	sld [smem:$0x3FD9]  }
0x1: {  	s3 =	sld [smem:$0x3FFE];
	_ =	sdelay $0x1  }
0x2: {  	s1 =	srdreg.scid  }
0x3: {  	s0 =	sand.u32 $0x1, s1  }
0x4: {  	s18 =	sshll.u32 s0, $0xA;
	s2 =	sadd.s32 s3, s2  }
0x5: {  	s2 =	sadd.s32 s2, s18  }
0x6: {  	[smem:$0x3FC6] =	sst s2  }
0x7: {  	_ = 	snop  }
0x8: {  	s2 =	sld [smem:$0x3FD0];
	(tm) =	ssettm $0x1  }
0x9: {  	s19 =	sld [smem:$0x3FFB];
	_ =	sdelay $0x3  }
0xa: {  	_ =	strace s19  }
0xb: {  	s3 =	sld [smem:$0x3FFC];
	_ =	sdelay $0x3  }
0xc: {  	_ =	strace s3  }
0xd: {  	s3 =	sld [smem:$0x3FFD];
	_ =	sdelay $0x3  }
0xe: {  	_ =	strace s3  }
0xf: {  	_ =	strace $0x8FFFFFFF  }
0x10: {  	s20 =	sld [smem:$0x3FDB];
	_ =	sdelay $0x1  }
0x11: {  	s4 =	simm.s32 $_scs_section_size  }
0x12: {  	s5 =	simm.s32 $_size__tile_overlayer_lowered;
	s6 =	simm.s32 $_tile_overlayer_lowered  }
0x13: {  	s23 =	simm.s32 $0x1BFF;
	s22 =	sshll.u32 s6, $0x1;
	s3 =	sadd.s32 s4, s20  }
0x14: {  	s7 =	simm.s32 $0x0;
	s21 =	sshll.u32 s5, $0x1;
	s5 =	sadd.s32 s22, s3  }
0x15: {  	[timem:s7], [sflag:s23] =	dma.local [hbm:s5], s21  }
0x16: {  	_ =	swait.ge [sflag:s23], s21  }
0x17: {  	s4 =	ssub.s32 $0x0, s21;
	[sflag:s23] =	ssyncset.done $0x0  }
0x18: {  	[sflag:s23] =	ssyncadd.s32 s4;
	_ =	sdelay $0x1  }
0x19: {  	s24 =	simm.s32 $0x1B8B  }
0x1a: {  	_ =	swait.ge [sflag:s24], $0x1  }
0x1b: {  	[sflag:s24] =	ssyncset.done $0x0  }
0x1c: {  	s26 =	simm.s32 $0x1B8E;
	s25 =	sld [smem:$0x3FFE];
	[sflag:s24] =	ssyncadd.s32 $0xFFFFFFFF  }
0x1d: {  	s27 =	simm.s32 $execute0_lowered;
	[smem:$0x3FD2] =	sst s26  }
0x1e: {  	s5 =	sshll.u32 s27, $0x1;
	_ =	strace $0x80000049;
	[dreg:$0x1] =	wrdreg $0xFFFFFFFF  }
0x1f: {  	s28 =	simm.s32 $_size_execute0_lowered;
	s3 =	sadd.s32 s3, s5;
	[dreg:$0x0] =	wrdreg $0x0  }
0x20: {  	s5 =	sshll.u32 s28, $0x1;
	[dreg:$0x2] =	wrdreg s3  }
0x21: {  	[dreg:$0x3] =	wrdreg s5  }
0x22: {  	[dreg:$0x4] =	wrdreg $0xC0  }
0x23: {  	_ =	task [dreg:s7], $0x5FFFF  }
0x24: {  	[dreg:$0x1] =	wrdreg $0xFFFFFFFF  }
0x25: {  	[dreg:$0x0] =	wrdreg $0x60  }
0x26: {  	[dreg:$0x2] =	wrdreg s25  }
0x27: {  	[dreg:$0x3] =	wrdreg s2  }
0x28: {  	[dreg:$0x4] =	wrdreg $0x9  }
0x29: {  	_ =	task.clear_ibuf [dreg:s7], $0x5FFFF;
	_ =	strace $0x90000049  }
0x2a: {  	s29 =	simm.s32 $0x9;
	_ =	strace $0x8000004B  }
0x2b: {  	_ =	swait.ge [sflag:s29], $0x1  }
0x2c: {  	[sflag:s29] =	ssyncadd.s32 $0xFFFFFFFF  }
0x2d: {  	_ =	strace $0x9000004B  }
0x2e: {  	_ =	sfence  }
0x2f: {  	s30 =	sld [smem:$0x0];
	_ =	sdelay $0x2  }
0x30: {  	s31 =	sshll.u32 s1, $0xD;
	s1 =	sshrl.u32 s1, $0x2  }
0x31: {  	s3 =	sand.u32 $0x4000, s31;
	s1 =	sadd.s32 s1, s30  }
0x32: {  	s0 =	sor.u32 s3, s0;
	s1 =	sshll.u32 s1, $0x11  }
0x33: {  	s0 =	sor.u32 s1, s0  }
0x34: {  	s0 =	sadd.s32 $0x8F2B, s0  }
0x35: {  	[sflag:s0] =	ssyncadd.remote.s32 $0x1  }
0x36: {  	_ =	sfence.sel $0xFFFF  }
0x37: {  	[dreg:$0x0] =	wrdreg $0xFFFFFFFF;
	(pc) =	sbr.abs _section_cstart, $3  }
0x38: {  	[dreg:$0x1] =	wrdreg $0xFFFFFFFF  }
0x39: {  	_ =	task.clear_ibuf [dreg:s7], $0x2FFFF;
	_ =	strace $0x9FFFFFFF  }
0x3a: {  	(tm) =	ssettm $0x7FFFFFFF  }
0x3b: {  	_ =	shalt  }
tec
execute0_lowered:
.L_overlay_start_1:
0x0: {  	(tag) =	ssettag $0x1  }
0x1: {  	s0 =	srdreg.scid  }
0x2: {  	s1 =	sshll.u32 s0, $0x4  }
0x3: {  	s0 =	stileid.u32;
	s1 =	sand.u32 $0x10, s1  }
0x4: {  	s1 =	sor.u32 s0, s1  }
0x5: {  	s6 =	rddreg [dreg:$0x0];
	s4 =	simm.s32 $0x1;
	s2 =	sshll.u32 s1, $0x7  }
0x6: {  	s7 =	simm.s32 $0x2;
	s12 =	simm.s32 $0x0;
	s1 =	ssub.s32 $0x4000, s2  }
0x7: {  	s8 =	simm.s32 $0x20000;
	s13 =	simm.s32 $0x0;
	s3 =	sand.u32 $0xF80, s1  }
0x8: {  	s9 =	simm.s32 $0x0;
	s5 =	sshrl.u32 s1, $0xC;
	p0 =	sne.s32 s3, $0x0  }
.Ltmp0:
0x9: {  	s1 =	rddreg [dreg:$0x2];
	s4 =	simm.s32 @!p0 $0x0;
	(pc) =	sbr.rel .LBB1_1-.Ltmp0, $4  }
0xa: {  	s11 =	simm.s32 $0x0;
	s3 =	rddreg [dreg:$0x1];
	s5 =	sadd.s32 s4, s5  }
0xb: {  	_ =	strace $0x8000004A;
	s4 =	simm.s32 $0x1;
	s5 =	smul.u32 $0x32, s5  }
0xc: {  	s6 =	sadd.s32 $0xA00, s6;
	s10 =	smov.u32 s2;
	[sflag:s4] =	ssyncpa.u1 $0x0  }
0xd: {  	p0 =	por $0x0, $0x0;
	[sflag:s7] =	ssyncpa.u1 $0x0;
	s7 =	sor.u32 $0x1, s5  }
.LBB1_4:
0xe: {  	s16 =	sshll.u32 s13, $0x3;
	s17 =	sand.u32 $0x78, s13  }
0xf: {  	s30 =	sand.u32 $0x1F800, s13;
	s12 =	sshll.u32 s12, $0x11;
	s16 =	sand.u32 $0x3C00, s16  }
0x10: {  	[tilespmem:s15+$0x810 ss:$0x81] =	vst.msk $0xffff, v2;
	s31 =	sand.u32 $0x7, s13;
	s16 =	sor.u32 s17, s16;
	s17 =	sadd.s32 s3, s30  }
0x11: {  	[tilespmem:s15+$0x1020 ss:$0x81] =	vst.msk $0xffff, v0;
	s13 =	sshll.u32 s31, $0x12;
	s12 =	sadd.s32 s12, s17;
	s16 =	sshrl.u32 s16, $0x3  }
0x12: {  	[tilespmem:s15+$0x0 ss:$0x81] =	vst.msk $0xffff, v1;
	s13 =	sor.u32 $0x400, s13;
	s12 =	sadd.s32 s16, s12  }
0x13: {  	[hbm4b:s12+s13] =	stream.strided.scatter [tilespmem:s14], [sflag:$0x2], $0x2000, s8, s13, $0x20;
	[tilespmem:$0x8080] =	vst v63  }
.LBB1_5:
0x14: {  	s14 =	sadd.s32 $0x1, s9  }
0x15: {  	s12 =	sadd.s32 $0x1000, s10;
	s16 =	smov.u32 s10;
	p2 =	sgt.s32 s14, $0x31  }
0x16: {  	s16 =	smov.u32 @p2 s12  }
0x17: {  	s14 =	simm.s32 @p2 $0x0;
	p2 =	sgt.s32 s16, $0x3FFF  }
0x18: {  	s16 =	smov.u32 @p2 s2;
	p2 =	sne.s32 s11, s7  }
.Ltmp1:
0x19: {  	p1 =	slt.u32 s11, $0x2;
	(pc) =	sbr.rel @!p2 .LBB1_6-.Ltmp1, $4  }
0x1a: {  	s15 =	simm.s32 @!p1 $0x2  }
0x1b: {  	s13 =	smov.u32 s10;
	p0 =	por !p0, !p0;
	_ =	swait.ge @!p1 [sflag:s15], $0x2000  }
0x1c: {  	s12 =	smov.u32 s9;
	[sflag:s15] =	ssyncset.done @!p1 $0x0;
	s9 =	smov.u32 s14  }
0x1d: {  	s11 =	sadd.s32 $0x1, s11;
	[sflag:s15] =	ssyncadd.s32 @!p1 $0xFFFFE000;
	s10 =	smov.u32 s16  }
.LBB1_1:
0x1e: {  	p1 =	sge.u32 s11, s5  }
0x1f: {  	s14 =	sand.u32 @!p1 $0x1FFFFFF, s9  }
0x20: {  	s15 =	smulhi.u32 @!p1 $0x4924925, s14;
	_ =	sdelay $0x1  }
0x21: {  	s15 =	smul.u32 @!p1 $0x38, s15  }
0x22: {  	s16 =	sxor.u32 @!p1 $0xFFFFFFFF, s11;
	s17 =	smul.u32 @!p1 $0x380, s10  }
0x23: {  	s31 =	sadd.s32 $0xFFFFFFFF, s11;
	s16 =	sshll.u32 @!p1 s16, $0xD;
	s14 =	ssub.s32 @!p1 s14, s15  }
0x24: {  	s15 =	sand.u32 @!p1 $0x2000, s16;
	s16 =	sadd.s32 @!p1 s6, s17;
	s14 =	sshll.u32 @!p1 s14, $0x4  }
0x25: {  	s17 =	simm.s32 @!p1 $0x1C00;
	s14 =	sadd.s32 @!p1 s14, s16;
	s16 =	simm.s32 @!p1 $0x40  }
0x26: {  	[tilespmem:s15], [sflag:$0x1] =	stream.strided.gather @!p1 [hbm4b:s14+s16], $0x2000, s17, s16, $0x38;
	[tilespmem:$0x8080] =	vst v63  }
0x27: {  	p1 =	sge.u32 s31, s5  }
.Ltmp2:
0x28: {  	_ = 	snop;
	(pc) =	sbr.rel @p1 .LBB1_5-.Ltmp2, $1  }
0x29: {  	_ =	sdelay $0x3  }
0x2a: {  	s14 =	simm.s32 $0x1  }
0x2b: {  	_ =	swait.ge [sflag:s4], $0x2000;
	s14 =	simm.s32 @!p0 $0x0  }
0x2c: {  	[sflag:s4] =	ssyncset.done $0x0;
	s15 =	sshll.u32 s14, $0xD  }
0x2d: {  	[sflag:s4] =	ssyncadd.s32 $0xFFFFE000;
	s18 =	sor.u32 $0x20, s15  }
0x2e: {  	s14 =	smul.u32 $0x8100, s14;
	v3 =	vld [tilespmem:s18+$0x10]  }
0x2f: {  	s30 =	sand.u32 $0x1, s11;
	v2 =	vld [tilespmem:s18+$0xFFFFFFF0]  }
0x30: {  	s15 =	smul.u32 $0x8100, s30;
	s14 =	sshrl.u32 s14, $0x2;
	v0 =	vld [tilespmem:s18+$0x0]  }
0x31: {  	v1 =	vld [tilespmem:s18+$0xFFFFFFE0];
	s16 =	sor.u32 $0x4000, s14  }
0x32: {  	s31 =	sshrl.u32 s15, $0x2;
	s15 =	sadd.s32 $0x0, s16  }
0x33: {  	s17 =	simm.s32 $0x4;
	s18 =	sadd.s32 $0x40, s18;
	s14 =	sor.u32 $0x4000, s31;
	[tilespmem:s15+$0x1830 ss:$0x81] =	vst.msk $0xffff, v3  }
.LBB1_3:
0x34: {  	v3 =	vld [tilespmem:s18+$0x10];
	p1 =	sne.s32 s17, $0x1FC;
	[tilespmem:s15+$0x810 ss:$0x81] =	vst.msk $0xffff, v2;
	s19 =	smov.u32 s17;
	s17 =	sadd.s32 $0x4, s17  }
.Ltmp3:
0x35: {  	v2 =	vld [tilespmem:s18+$0xFFFFFFF0];
	[tilespmem:s15+$0x1020 ss:$0x81] =	vst.msk $0xffff, v0;
	(pc) =	sbr.rel @p1 .LBB1_3-.Ltmp3, $4  }
0x36: {  	v0 =	vld [tilespmem:s18+$0x0];
	[tilespmem:s15+$0x0 ss:$0x81] =	vst.msk $0xffff, v1  }
0x37: {  	s15 =	sshra.s32 s19, $0x2;
	v1 =	vld [tilespmem:s18+$0xFFFFFFE0]  }
0x38: {  	s15 =	sadd.s32 s15, s16  }
0x39: {  	s18 =	sadd.s32 $0x40, s18;
	[tilespmem:s15+$0x1830 ss:$0x81] =	vst.msk $0xffff, v3  }
.Ltmp4:
0x3a: {  	_ = 	snop;
	(pc) =	sbr.rel .LBB1_4-.Ltmp4, $1  }
0x3b: {  	_ =	sdelay $0x3  }
.LBB1_6:
0x3c: {  	_ =	sfence.sel $0x180000  }
0x3d: {  	s2 =	simm.s32 $0x1;
	[bflag:$0x0] =	sbarrier.arrive $0xFFFF  }
0x3e: {  	s31 =	simm.s32 $0x2;
	[sflag:s2] =	ssyncpa.u1 $0x1  }
0x3f: {  	[sflag:s31] =	ssyncpa.u1 $0x1  }
0x40: {  	p0 =	sne.s32 s0, $0x0;
	_ =	strace $0x9000004A  }
0x41: {  	s0 =	sadd.s32 @!p0 $0x100000, s1;
	[bflag:$0x2] =	sbarrier.arrive $0xFFFF  }
0x42: {  	[sflag:s0] =	ssyncadd.tile.s32 @!p0 $0x1;
	_ =	shalt  }
.Lfunc_end1:
_tile_overlayer_lowered:
.L_overlay_start_2:
0x43: {  	(tag) =	ssettag $0x2  }
0x44: {  	s0 =	rddreg [dreg:$0x0];
	s2 =	stileid.u32  }
0x45: {  	s1 =	rddreg [dreg:$0x1];
	p0 =	sne.s32 s2, $0x0  }
0x46: {  	s3 =	rddreg [dreg:$0x2];
	[bflag:$0x3] =	sbarrier.arrive $0xFFFF;
	s2 =	simm.s32 @!p0 $0x1C01  }
0x47: {  	[timem:s3], [sflag:s2] =	dma.local @!p0 [hbm:s0], s1  }
0x48: {  	s0 =	simm.s32 @!p0 $0x1  }
0x49: {  	_ =	swait.ge @!p0 [sflag:s0], s1  }
0x4a: {  	s1 =	ssub.s32 @!p0 $0x0, s1;
	[sflag:s0] =	ssyncset.done @!p0 $0x0  }
0x4b: {  	[sflag:s0] =	ssyncadd.s32 @!p0 s1  }
0x4c: {  	[bflag:$0x3] =	sbarrier.arrive $0xFFFF  }
0x4d: {  	_ =	shalt  }

</sc_bundles>
